<compile_context>
chip_gen: v7x
topology: tpu7x:2x2x1
jax: 0.10.2.dev20260603
libtpu: 0.0.44.dev20260713+nightly
codegen_flags: <defaults>
</compile_context>

<pallas_src>
import functools

import jax
import jax.numpy as jnp
from jax import lax
from jax.experimental import pallas as pl
from jax.experimental.pallas import tpu as pltpu
from jax.experimental.pallas import tpu_sc as plsc


def _gather_sc_t(idx_t, tblT, b, t, d, num_workers=32):
    ndg_total = d // 8
    slab_rows = 32
    mesh = plsc.VectorSubcoreMesh(core_axis_name="c", subcore_axis_name="s")

    @functools.partial(
        pl.kernel,
        mesh=mesh,
        out_type=jax.ShapeDtypeStruct((t, d, b), jnp.float32),
        compiler_params=pltpu.CompilerParams(needs_layout_passes=False),
        scratch_types=[
            pltpu.VMEM((t, b), jnp.int32),
            pltpu.VMEM((slab_rows, d), jnp.float32),
            pltpu.VMEM((4, 8, b), jnp.float32),
            pltpu.SemaphoreType.DMA((4,)),
        ],
    )
    def k(idx_hbm, tblT_hbm, x_hbm, idx_v, slab_v, stg_v, ssem):
        wid = lax.axis_index("s") * 2 + lax.axis_index("c")
        dg0 = wid * ndg_total // num_workers
        dg1 = (wid + 1) * ndg_total // num_workers
        ndg = dg1 - dg0
        pltpu.sync_copy(idx_hbm, idx_v)
        pltpu.sync_copy(tblT_hbm.at[pl.ds(dg0 * 8, slab_rows)], slab_v)

        def task(step, carry):
            ti, g = carry
            p = step % 4

            @pl.when(step >= 4)
            def _():
                pltpu.make_async_copy(
                    stg_v.at[p], x_hbm.at[0, pl.ds(0, 8)], ssem.at[p]
                ).wait()

            rows = [jnp.full((16,), g * 8 + j, jnp.int32) for j in range(8)]

            @plsc.parallel_loop(0, b, step=16, unroll=4)
            def _(b0):
                idx16 = idx_v[ti, pl.ds(b0, 16)]
                for j in range(8):
                    vals = plsc.load_gather(slab_v, [rows[j], idx16])
                    stg_v[p, j, pl.ds(b0, 16)] = vals
            pltpu.async_copy(
                stg_v.at[p],
                x_hbm.at[ti, pl.ds((dg0 + g) * 8, 8)],
                ssem.at[p],
            )
            wrap = g + 1 == ndg
            return (
                jnp.where(wrap, ti + 1, ti),
                jnp.where(wrap, 0, g + 1),
            )

        n_tasks = t * ndg
        lax.fori_loop(
            0, n_tasks, task,
            (jnp.int32(0), jnp.int32(0)), unroll=False,
        )

        def drain(q, _):
            s0 = n_tasks - 4 + q

            @pl.when(s0 >= 0)
            def _():
                pltpu.make_async_copy(
                    stg_v.at[s0 % 4], x_hbm.at[0, pl.ds(0, 8)],
                    ssem.at[s0 % 4],
                ).wait()
            return 0

        lax.fori_loop(0, 4, drain, 0, unroll=True)

    return k(idx_t, tblT)


def kernel(idx, token_embedding_table):
    b, t = idx.shape
    v, d = token_embedding_table.shape
    idx_t = idx.T
    tblT = token_embedding_table.T
    x = _gather_sc_t(idx_t, tblT, b, t, d)
    return jnp.transpose(x, (2, 0, 1))

# --- scband reference (transcript-rebuilt; emitter-appended) ---
"""Pipeline reference for scband-movie-model-34522947125353 (READ-ONLY COPY).

The authoritative reference and input builder live on the scoring server;
editing this copy changes nothing except your own understanding.
"""

import jax, jax.numpy as jnp
import numpy as np

VOCAB = 1000
B = 1024
T = 50

def setup_inputs(seed: int = 0) -> dict:
    key = jax.random.key(seed)
    k1, k2 = jax.random.split(key)
    idx = jax.random.randint(k1, (B, T), 0, VOCAB, dtype=jnp.int64 if jax.config.jax_enable_x64 else jnp.int32).astype(jnp.int32)
    table = jax.random.normal(k2, (VOCAB, VOCAB), dtype=jnp.float32)
    return {"idx": idx, "token_embedding_table": table}

def reference(idx, token_embedding_table):
    # MovieModel.forward with targets=None:
    #   logits = self.token_embedding_table(idx)  -> gather rows
    #   loss = None (dropped; return logits)
    logits = jnp.take(token_embedding_table, idx, axis=0)
    return logits

if __name__ == "__main__":
    import jax
    _d = setup_inputs()
    print(jax.jit(kernel)(*tuple(_d.values())))

</pallas_src>

<mosaic_0001>
#map = affine_map<(d0, d1) -> (0, 0)>
#map1 = affine_map<(d0, d1) -> (0, 0, 0)>
module attributes {stable_mosaic.version = 14 : i64} {
  func.func @k(%arg0: i32, %arg1: i32, %arg2: memref<50x1024xi32, #tpu.memory_space<hbm>>, %arg3: memref<1000x1000xf32, #tpu.memory_space<hbm>>, %arg4: memref<50x1000x1024xf32, #tpu.memory_space<hbm>>, %arg5: memref<50x1024xi32, #tpu.memory_space<vmem>>, %arg6: memref<32x1000xf32, #tpu.memory_space<vmem>>, %arg7: memref<4x8x1024xf32, #tpu.memory_space<vmem>>, %arg8: memref<4x!tpu.dma_semaphore, #tpu.memory_space<semaphore_mem>>) attributes {dimension_semantics = [#tpu.dimension_semantics<core_parallel>, #tpu.dimension_semantics<subcore_parallel>], iteration_bounds = array<i64: 2, 16>, scalar_prefetch = 0 : i64, scratch_operands = 4 : i64, tpu.core_type = #tpu.core_type<sc_vector_subcore>, window_params = [{transform_indices = #map}, {transform_indices = #map}, {transform_indices = #map1}]} {
    %mul3A = arith.constant 2 : i32
    %mul3A_0 = arith.muli %arg1, %mul3A : i32
    %add3A = arith.addi %mul3A_0, %arg0 : i32
    %mul3A_1 = arith.constant 125 : i32
    %mul3A_2 = arith.muli %add3A, %mul3A_1 : i32
    %jit3A = arith.constant 32 : i32
    %div3A = arith.divsi %mul3A_2, %jit3A : i32
    %sign3A = arith.constant 0 : i32
    %sign3A_3 = arith.cmpi sgt, %mul3A_2, %sign3A : i32
    %sign3A_4 = arith.extui %sign3A_3 : i1 to i32
    %sign3A_5 = arith.constant 0 : i32
    %sign3A_6 = arith.cmpi slt, %mul3A_2, %sign3A_5 : i32
    %sign3A_7 = arith.extui %sign3A_6 : i1 to i32
    %sign3A_8 = arith.subi %sign3A_4, %sign3A_7 : i32
    %sign3A_9 = arith.constant 0 : i32
    %sign3A_10 = arith.cmpi sgt, %jit3A, %sign3A_9 : i32
    %sign3A_11 = arith.extui %sign3A_10 : i1 to i32
    %sign3A_12 = arith.constant 0 : i32
    %sign3A_13 = arith.cmpi slt, %jit3A, %sign3A_12 : i32
    %sign3A_14 = arith.extui %sign3A_13 : i1 to i32
    %sign3A_15 = arith.subi %sign3A_11, %sign3A_14 : i32
    %ne3A = arith.cmpi ne, %sign3A_8, %sign3A_15 : i32
    %rem3A = arith.remsi %mul3A_2, %jit3A : i32
    %ne3A_16 = arith.constant 0 : i32
    %ne3A_17 = arith.cmpi ne, %rem3A, %ne3A_16 : i32
    %and3A = arith.andi %ne3A, %ne3A_17 : i1
    %sub3A = arith.constant 1 : i32
    %sub3A_18 = arith.subi %div3A, %sub3A : i32
    %select_n3A = arith.select %and3A, %sub3A_18, %div3A : i32
    %add3A_19 = arith.constant 1 : i32
    %add3A_20 = arith.addi %add3A, %add3A_19 : i32
    %mul3A_21 = arith.constant 125 : i32
    %mul3A_22 = arith.muli %add3A_20, %mul3A_21 : i32
    %jit3A_23 = arith.constant 32 : i32
    %div3A_24 = arith.divsi %mul3A_22, %jit3A_23 : i32
    %sign3A_25 = arith.constant 0 : i32
    %sign3A_26 = arith.cmpi sgt, %mul3A_22, %sign3A_25 : i32
    %sign3A_27 = arith.extui %sign3A_26 : i1 to i32
    %sign3A_28 = arith.constant 0 : i32
    %sign3A_29 = arith.cmpi slt, %mul3A_22, %sign3A_28 : i32
    %sign3A_30 = arith.extui %sign3A_29 : i1 to i32
    %sign3A_31 = arith.subi %sign3A_27, %sign3A_30 : i32
    %sign3A_32 = arith.constant 0 : i32
    %sign3A_33 = arith.cmpi sgt, %jit3A_23, %sign3A_32 : i32
    %sign3A_34 = arith.extui %sign3A_33 : i1 to i32
    %sign3A_35 = arith.constant 0 : i32
    %sign3A_36 = arith.cmpi slt, %jit3A_23, %sign3A_35 : i32
    %sign3A_37 = arith.extui %sign3A_36 : i1 to i32
    %sign3A_38 = arith.subi %sign3A_34, %sign3A_37 : i32
    %ne3A_39 = arith.cmpi ne, %sign3A_31, %sign3A_38 : i32
    %rem3A_40 = arith.remsi %mul3A_22, %jit3A_23 : i32
    %ne3A_41 = arith.constant 0 : i32
    %ne3A_42 = arith.cmpi ne, %rem3A_40, %ne3A_41 : i32
    %and3A_43 = arith.andi %ne3A_39, %ne3A_42 : i1
    %sub3A_44 = arith.constant 1 : i32
    %sub3A_45 = arith.subi %div3A_24, %sub3A_44 : i32
    %select_n3A_46 = arith.select %and3A_43, %sub3A_45, %div3A_24 : i32
    %sub3A_47 = arith.subi %select_n3A_46, %select_n3A : i32
    "tpu.region"() ({
      %run_scoped3A = tpu.sem_alloc : memref<!tpu.dma_semaphore, #tpu.memory_space<semaphore_mem>>
      tpu.enqueue_dma source(%arg2 : memref<50x1024xi32, #tpu.memory_space<hbm>>) target(%arg5 : memref<50x1024xi32, #tpu.memory_space<vmem>>) target_semaphore(%run_scoped3A : memref<!tpu.dma_semaphore, #tpu.memory_space<semaphore_mem>>)
      tpu.wait_dma2 semaphore(%run_scoped3A : memref<!tpu.dma_semaphore, #tpu.memory_space<semaphore_mem>>) src(%arg2 : memref<50x1024xi32, #tpu.memory_space<hbm>>) dst(%arg5 : memref<50x1024xi32, #tpu.memory_space<vmem>>)
      tpu.yield
    }) : () -> ()
    %mul3A_48 = arith.constant 8 : i32
    %mul3A_49 = arith.muli %select_n3A, %mul3A_48 : i32
    "tpu.region"() ({
      %run_scoped3A = tpu.sem_alloc : memref<!tpu.dma_semaphore, #tpu.memory_space<semaphore_mem>>
      %dma_start3A = arith.constant 0 : i32
      %dma_start3A_102 = tpu.memref_slice %arg3[%mul3A_49, %dma_start3A] : memref<1000x1000xf32, #tpu.memory_space<hbm>> -> memref<32x1000xf32, #tpu.memory_space<hbm>>
      %dma_start3A_103 = arith.constant 0 : i32
      %dma_start3A_104 = tpu.memref_slice %arg3[%mul3A_49, %dma_start3A_103] : memref<1000x1000xf32, #tpu.memory_space<hbm>> -> memref<32x1000xf32, #tpu.memory_space<hbm>>
      tpu.enqueue_dma source(%dma_start3A_104 : memref<32x1000xf32, #tpu.memory_space<hbm>>) target(%arg6 : memref<32x1000xf32, #tpu.memory_space<vmem>>) target_semaphore(%run_scoped3A : memref<!tpu.dma_semaphore, #tpu.memory_space<semaphore_mem>>)
      %dma_wait3A = arith.constant 0 : i32
      %dma_wait3A_105 = tpu.memref_slice %arg3[%mul3A_49, %dma_wait3A] : memref<1000x1000xf32, #tpu.memory_space<hbm>> -> memref<32x1000xf32, #tpu.memory_space<hbm>>
      %dma_wait3A_106 = arith.constant 0 : i32
      %dma_wait3A_107 = tpu.memref_slice %arg3[%mul3A_49, %dma_wait3A_106] : memref<1000x1000xf32, #tpu.memory_space<hbm>> -> memref<32x1000xf32, #tpu.memory_space<hbm>>
      tpu.wait_dma2 semaphore(%run_scoped3A : memref<!tpu.dma_semaphore, #tpu.memory_space<semaphore_mem>>) src(%dma_wait3A_107 : memref<32x1000xf32, #tpu.memory_space<hbm>>) dst(%arg6 : memref<32x1000xf32, #tpu.memory_space<vmem>>)
      tpu.yield
    }) : () -> ()
    %mul3A_50 = arith.constant 50 : i32
    %mul3A_51 = arith.muli %mul3A_50, %sub3A_47 : i32
    %while3A = arith.constant 0 : i32
    %while3A_52 = arith.constant 0 : i32
    %while3A_53 = arith.constant 0 : i32
    %while3A_54 = arith.subi %mul3A_51, %while3A : i32
    %while3A_55 = arith.addi %while3A, %while3A_54 : i32
    %while3A_56 = arith.constant 1 : i32
    %while3A_57 = arith.divsi %while3A_54, %while3A_56 : i32
    %while3A_58 = arith.muli %while3A_57, %while3A_56 : i32
    %while3A_59 = arith.addi %while3A, %while3A_58 : i32
    %while3A_60 = arith.constant 1 : i32
    %while3A_61:2 = scf.for %while3A_102 = %while3A to %while3A_59 step %while3A_60 iter_args(%while3A_103 = %while3A_52, %while3A_104 = %while3A_53) -> (i32, i32)  : i32 {
      %jit3A_105 = arith.constant 4 : i32
      %eq3A = arith.constant 0 : i32
      %eq3A_106 = arith.cmpi eq, %jit3A_105, %eq3A : i32
      %jit3A_107 = arith.constant 1 : i32
      %select_n3A_108 = arith.select %eq3A_106, %jit3A_107, %jit3A_105 : i32
      %rem3A_109 = arith.remsi %while3A_102, %select_n3A_108 : i32
      %ne3A_110 = arith.constant 0 : i32
      %ne3A_111 = arith.cmpi ne, %rem3A_109, %ne3A_110 : i32
      %lt3A = arith.constant 0 : i32
      %lt3A_112 = arith.cmpi slt, %rem3A_109, %lt3A : i32
      %lt3A_113 = arith.constant 0 : i32
      %lt3A_114 = arith.cmpi slt, %select_n3A_108, %lt3A_113 : i32
      %ne3A_115 = arith.xori %lt3A_112, %lt3A_114 : i1
      %and3A_116 = arith.andi %ne3A_115, %ne3A_111 : i1
      %add3A_117 = arith.addi %rem3A_109, %select_n3A_108 : i32
      %select_n3A_118 = arith.select %and3A_116, %add3A_117, %rem3A_109 : i32
      %ge3A_119 = arith.constant 4 : i32
      %ge3A_120 = arith.cmpi sge, %while3A_102, %ge3A_119 : i32
      %convert_element_type3A_121 = arith.extui %ge3A_120 : i1 to i32
      %cond3A_122 = arith.constant 0 : i32
      %cond3A_123 = arith.cmpi ne, %convert_element_type3A_121, %cond3A_122 : i32
      scf.if %cond3A_123 {
        %dma_wait3A = arith.constant 0 : i32
        %dma_wait3A_193 = arith.constant 0 : i32
        %dma_wait3A_194 = arith.constant 0 : i32
        %dma_wait3A_195 = tpu.memref_slice %arg7[%select_n3A_118, %dma_wait3A_193, %dma_wait3A_194] : memref<4x8x1024xf32, #tpu.memory_space<vmem>> -> memref<1x8x1024xf32, #tpu.memory_space<vmem>>
        %dma_wait3A_196 = tpu.memref_squeeze %dma_wait3A_195 : memref<1x8x1024xf32, #tpu.memory_space<vmem>> -> memref<8x1024xf32, #tpu.memory_space<vmem>>
        %dma_wait3A_197 = arith.constant 0 : i32
        %dma_wait3A_198 = arith.constant 0 : i32
        %dma_wait3A_199 = tpu.memref_slice %arg4[%dma_wait3A, %dma_wait3A_197, %dma_wait3A_198] : memref<50x1000x1024xf32, #tpu.memory_space<hbm>> -> memref<1x8x1024xf32, #tpu.memory_space<hbm>>
        %dma_wait3A_200 = tpu.memref_squeeze %dma_wait3A_199 : memref<1x8x1024xf32, #tpu.memory_space<hbm>> -> memref<8x1024xf32, #tpu.memory_space<hbm>>
        %dma_wait3A_201 = tpu.memref_slice %arg8[%select_n3A_118] : memref<4x!tpu.dma_semaphore, #tpu.memory_space<semaphore_mem>> -> memref<1x!tpu.dma_semaphore, #tpu.memory_space<semaphore_mem>>
        %dma_wait3A_202 = tpu.memref_squeeze %dma_wait3A_201 : memref<1x!tpu.dma_semaphore, #tpu.memory_space<semaphore_mem>> -> memref<!tpu.dma_semaphore, #tpu.memory_space<semaphore_mem>>
        %dma_wait3A_203 = arith.constant 0 : i32
        %dma_wait3A_204 = arith.constant 0 : i32
        %dma_wait3A_205 = tpu.memref_slice %arg4[%dma_wait3A, %dma_wait3A_203, %dma_wait3A_204] : memref<50x1000x1024xf32, #tpu.memory_space<hbm>> -> memref<1x8x1024xf32, #tpu.memory_space<hbm>>
        %dma_wait3A_206 = tpu.memref_squeeze %dma_wait3A_205 : memref<1x8x1024xf32, #tpu.memory_space<hbm>> -> memref<8x1024xf32, #tpu.memory_space<hbm>>
        %dma_wait3A_207 = arith.constant 0 : i32
        %dma_wait3A_208 = arith.constant 0 : i32
        %dma_wait3A_209 = tpu.memref_slice %arg7[%select_n3A_118, %dma_wait3A_207, %dma_wait3A_208] : memref<4x8x1024xf32, #tpu.memory_space<vmem>> -> memref<1x8x1024xf32, #tpu.memory_space<vmem>>
        %dma_wait3A_210 = tpu.memref_squeeze %dma_wait3A_209 : memref<1x8x1024xf32, #tpu.memory_space<vmem>> -> memref<8x1024xf32, #tpu.memory_space<vmem>>
        tpu.wait_dma2 semaphore(%dma_wait3A_202 : memref<!tpu.dma_semaphore, #tpu.memory_space<semaphore_mem>>) src(%dma_wait3A_210 : memref<8x1024xf32, #tpu.memory_space<vmem>>) dst(%dma_wait3A_206 : memref<8x1024xf32, #tpu.memory_space<hbm>>)
      } else {
      }
      %mul3A_124 = arith.constant 8 : i32
      %mul3A_125 = arith.muli %while3A_104, %mul3A_124 : i32
      %add3A_126 = arith.constant 0 : i32
      %add3A_127 = arith.addi %mul3A_125, %add3A_126 : i32
      %broadcast_in_dim3A = vector.broadcast %add3A_127 : i32 to vector<16xi32>
      %mul3A_128 = arith.constant 8 : i32
      %mul3A_129 = arith.muli %while3A_104, %mul3A_128 : i32
      %add3A_130 = arith.constant 1 : i32
      %add3A_131 = arith.addi %mul3A_129, %add3A_130 : i32
      %broadcast_in_dim3A_132 = vector.broadcast %add3A_131 : i32 to vector<16xi32>
      %mul3A_133 = arith.constant 8 : i32
      %mul3A_134 = arith.muli %while3A_104, %mul3A_133 : i32
      %add3A_135 = arith.constant 2 : i32
      %add3A_136 = arith.addi %mul3A_134, %add3A_135 : i32
      %broadcast_in_dim3A_137 = vector.broadcast %add3A_136 : i32 to vector<16xi32>
      %mul3A_138 = arith.constant 8 : i32
      %mul3A_139 = arith.muli %while3A_104, %mul3A_138 : i32
      %add3A_140 = arith.constant 3 : i32
      %add3A_141 = arith.addi %mul3A_139, %add3A_140 : i32
      %broadcast_in_dim3A_142 = vector.broadcast %add3A_141 : i32 to vector<16xi32>
      %mul3A_143 = arith.constant 8 : i32
      %mul3A_144 = arith.muli %while3A_104, %mul3A_143 : i32
      %add3A_145 = arith.constant 4 : i32
      %add3A_146 = arith.addi %mul3A_144, %add3A_145 : i32
      %broadcast_in_dim3A_147 = vector.broadcast %add3A_146 : i32 to vector<16xi32>
      %mul3A_148 = arith.constant 8 : i32
      %mul3A_149 = arith.muli %while3A_104, %mul3A_148 : i32
      %add3A_150 = arith.constant 5 : i32
      %add3A_151 = arith.addi %mul3A_149, %add3A_150 : i32
      %broadcast_in_dim3A_152 = vector.broadcast %add3A_151 : i32 to vector<16xi32>
      %mul3A_153 = arith.constant 8 : i32
      %mul3A_154 = arith.muli %while3A_104, %mul3A_153 : i32
      %add3A_155 = arith.constant 6 : i32
      %add3A_156 = arith.addi %mul3A_154, %add3A_155 : i32
      %broadcast_in_dim3A_157 = vector.broadcast %add3A_156 : i32 to vector<16xi32>
      %mul3A_158 = arith.constant 8 : i32
      %mul3A_159 = arith.muli %while3A_104, %mul3A_158 : i32
      %add3A_160 = arith.constant 7 : i32
      %add3A_161 = arith.addi %mul3A_159, %add3A_160 : i32
      %broadcast_in_dim3A_162 = vector.broadcast %add3A_161 : i32 to vector<16xi32>
      %parallel_loop3A = arith.constant 0 : i32
      %parallel_loop3A_163 = arith.constant 1024 : i32
      %parallel_loop3A_164 = arith.constant 16 : i32
      scf.for %parallel_loop3A_193 = %parallel_loop3A to %parallel_loop3A_163 step %parallel_loop3A_164  : i32 {
        %parallel_loop3A_194 = arith.index_cast %while3A_103 : i32 to index
        %parallel_loop3A_195 = arith.index_cast %parallel_loop3A_193 : i32 to index
        %parallel_loop3A_196 = tpu.vector_load %arg5[%parallel_loop3A_194, %parallel_loop3A_195] {strides = array<i32>} : memref<50x1024xi32, #tpu.memory_space<vmem>>, vector<16xi32>,
        %parallel_loop3A_197 = tpu.vector_load_idx %arg6[%broadcast_in_dim3A, %parallel_loop3A_196] : memref<32x1000xf32, #tpu.memory_space<vmem>>[vector<16xi32>, vector<16xi32>], vector<16xf32>,
        %parallel_loop3A_198 = arith.constant 0 : i32
        %parallel_loop3A_199 = arith.index_cast %select_n3A_118 : i32 to index
        %parallel_loop3A_200 = arith.index_cast %parallel_loop3A_198 : i32 to index
        %parallel_loop3A_201 = arith.index_cast %parallel_loop3A_193 : i32 to index
        %parallel_loop3A_202 = tpu.vector_load %arg7[%parallel_loop3A_199, %parallel_loop3A_200, %parallel_loop3A_201] {strides = array<i32>} : memref<4x8x1024xf32, #tpu.memory_space<vmem>>, vector<16xf32>,
        tpu.vector_store %arg7[%parallel_loop3A_199, %parallel_loop3A_200, %parallel_loop3A_201], %parallel_loop3A_197 {strides = array<i32>} : memref<4x8x1024xf32, #tpu.memory_space<vmem>>, vector<16xf32>,
        %parallel_loop3A_203 = tpu.vector_load_idx %arg6[%broadcast_in_dim3A_132, %parallel_loop3A_196] : memref<32x1000xf32, #tpu.memory_space<vmem>>[vector<16xi32>, vector<16xi32>], vector<16xf32>,
        %parallel_loop3A_204 = arith.constant 1 : i32
        %parallel_loop3A_205 = arith.index_cast %select_n3A_118 : i32 to index
        %parallel_loop3A_206 = arith.index_cast %parallel_loop3A_204 : i32 to index
        %parallel_loop3A_207 = arith.index_cast %parallel_loop3A_193 : i32 to index
        %parallel_loop3A_208 = tpu.vector_load %arg7[%parallel_loop3A_205, %parallel_loop3A_206, %parallel_loop3A_207] {strides = array<i32>} : memref<4x8x1024xf32, #tpu.memory_space<vmem>>, vector<16xf32>,
        tpu.vector_store %arg7[%parallel_loop3A_205, %parallel_loop3A_206, %parallel_loop3A_207], %parallel_loop3A_203 {strides = array<i32>} : memref<4x8x1024xf32, #tpu.memory_space<vmem>>, vector<16xf32>,
        %parallel_loop3A_209 = tpu.vector_load_idx %arg6[%broadcast_in_dim3A_137, %parallel_loop3A_196] : memref<32x1000xf32, #tpu.memory_space<vmem>>[vector<16xi32>, vector<16xi32>], vector<16xf32>,
        %parallel_loop3A_210 = arith.constant 2 : i32
        %parallel_loop3A_211 = arith.index_cast %select_n3A_118 : i32 to index
        %parallel_loop3A_212 = arith.index_cast %parallel_loop3A_210 : i32 to index
        %parallel_loop3A_213 = arith.index_cast %parallel_loop3A_193 : i32 to index
        %parallel_loop3A_214 = tpu.vector_load %arg7[%parallel_loop3A_211, %parallel_loop3A_212, %parallel_loop3A_213] {strides = array<i32>} : memref<4x8x1024xf32, #tpu.memory_space<vmem>>, vector<16xf32>,
        tpu.vector_store %arg7[%parallel_loop3A_211, %parallel_loop3A_212, %parallel_loop3A_213], %parallel_loop3A_209 {strides = array<i32>} : memref<4x8x1024xf32, #tpu.memory_space<vmem>>, vector<16xf32>,
        %parallel_loop3A_215 = tpu.vector_load_idx %arg6[%broadcast_in_dim3A_142, %parallel_loop3A_196] : memref<32x1000xf32, #tpu.memory_space<vmem>>[vector<16xi32>, vector<16xi32>], vector<16xf32>,
        %parallel_loop3A_216 = arith.constant 3 : i32
        %parallel_loop3A_217 = arith.index_cast %select_n3A_118 : i32 to index
        %parallel_loop3A_218 = arith.index_cast %parallel_loop3A_216 : i32 to index
        %parallel_loop3A_219 = arith.index_cast %parallel_loop3A_193 : i32 to index
        %parallel_loop3A_220 = tpu.vector_load %arg7[%parallel_loop3A_217, %parallel_loop3A_218, %parallel_loop3A_219] {strides = array<i32>} : memref<4x8x1024xf32, #tpu.memory_space<vmem>>, vector<16xf32>,
        tpu.vector_store %arg7[%parallel_loop3A_217, %parallel_loop3A_218, %parallel_loop3A_219], %parallel_loop3A_215 {strides = array<i32>} : memref<4x8x1024xf32, #tpu.memory_space<vmem>>, vector<16xf32>,
        %parallel_loop3A_221 = tpu.vector_load_idx %arg6[%broadcast_in_dim3A_147, %parallel_loop3A_196] : memref<32x1000xf32, #tpu.memory_space<vmem>>[vector<16xi32>, vector<16xi32>], vector<16xf32>,
        %parallel_loop3A_222 = arith.constant 4 : i32
        %parallel_loop3A_223 = arith.index_cast %select_n3A_118 : i32 to index
        %parallel_loop3A_224 = arith.index_cast %parallel_loop3A_222 : i32 to index
        %parallel_loop3A_225 = arith.index_cast %parallel_loop3A_193 : i32 to index
        %parallel_loop3A_226 = tpu.vector_load %arg7[%parallel_loop3A_223, %parallel_loop3A_224, %parallel_loop3A_225] {strides = array<i32>} : memref<4x8x1024xf32, #tpu.memory_space<vmem>>, vector<16xf32>,
        tpu.vector_store %arg7[%parallel_loop3A_223, %parallel_loop3A_224, %parallel_loop3A_225], %parallel_loop3A_221 {strides = array<i32>} : memref<4x8x1024xf32, #tpu.memory_space<vmem>>, vector<16xf32>,
        %parallel_loop3A_227 = tpu.vector_load_idx %arg6[%broadcast_in_dim3A_152, %parallel_loop3A_196] : memref<32x1000xf32, #tpu.memory_space<vmem>>[vector<16xi32>, vector<16xi32>], vector<16xf32>,
        %parallel_loop3A_228 = arith.constant 5 : i32
        %parallel_loop3A_229 = arith.index_cast %select_n3A_118 : i32 to index
        %parallel_loop3A_230 = arith.index_cast %parallel_loop3A_228 : i32 to index
        %parallel_loop3A_231 = arith.index_cast %parallel_loop3A_193 : i32 to index
        %parallel_loop3A_232 = tpu.vector_load %arg7[%parallel_loop3A_229, %parallel_loop3A_230, %parallel_loop3A_231] {strides = array<i32>} : memref<4x8x1024xf32, #tpu.memory_space<vmem>>, vector<16xf32>,
        tpu.vector_store %arg7[%parallel_loop3A_229, %parallel_loop3A_230, %parallel_loop3A_231], %parallel_loop3A_227 {strides = array<i32>} : memref<4x8x1024xf32, #tpu.memory_space<vmem>>, vector<16xf32>,
        %parallel_loop3A_233 = tpu.vector_load_idx %arg6[%broadcast_in_dim3A_157, %parallel_loop3A_196] : memref<32x1000xf32, #tpu.memory_space<vmem>>[vector<16xi32>, vector<16xi32>], vector<16xf32>,
        %parallel_loop3A_234 = arith.constant 6 : i32
        %parallel_loop3A_235 = arith.index_cast %select_n3A_118 : i32 to index
        %parallel_loop3A_236 = arith.index_cast %parallel_loop3A_234 : i32 to index
        %parallel_loop3A_237 = arith.index_cast %parallel_loop3A_193 : i32 to index
        %parallel_loop3A_238 = tpu.vector_load %arg7[%parallel_loop3A_235, %parallel_loop3A_236, %parallel_loop3A_237] {strides = array<i32>} : memref<4x8x1024xf32, #tpu.memory_space<vmem>>, vector<16xf32>,
        tpu.vector_store %arg7[%parallel_loop3A_235, %parallel_loop3A_236, %parallel_loop3A_237], %parallel_loop3A_233 {strides = array<i32>} : memref<4x8x1024xf32, #tpu.memory_space<vmem>>, vector<16xf32>,
        %parallel_loop3A_239 = tpu.vector_load_idx %arg6[%broadcast_in_dim3A_162, %parallel_loop3A_196] : memref<32x1000xf32, #tpu.memory_space<vmem>>[vector<16xi32>, vector<16xi32>], vector<16xf32>,
        %parallel_loop3A_240 = arith.constant 7 : i32
        %parallel_loop3A_241 = arith.index_cast %select_n3A_118 : i32 to index
        %parallel_loop3A_242 = arith.index_cast %parallel_loop3A_240 : i32 to index
        %parallel_loop3A_243 = arith.index_cast %parallel_loop3A_193 : i32 to index
        %parallel_loop3A_244 = tpu.vector_load %arg7[%parallel_loop3A_241, %parallel_loop3A_242, %parallel_loop3A_243] {strides = array<i32>} : memref<4x8x1024xf32, #tpu.memory_space<vmem>>, vector<16xf32>,
        tpu.vector_store %arg7[%parallel_loop3A_241, %parallel_loop3A_242, %parallel_loop3A_243], %parallel_loop3A_239 {strides = array<i32>} : memref<4x8x1024xf32, #tpu.memory_space<vmem>>, vector<16xf32>,
      } {sc.loop_unroll_factor = 4 : i64, sc.parallel_access}
      %add3A_165 = arith.addi %select_n3A, %while3A_104 : i32
      %mul3A_166 = arith.constant 8 : i32
      %mul3A_167 = arith.muli %add3A_165, %mul3A_166 : i32
      %dma_start3A = arith.constant 0 : i32
      %dma_start3A_168 = arith.constant 0 : i32
      %dma_start3A_169 = tpu.memref_slice %arg7[%select_n3A_118, %dma_start3A, %dma_start3A_168] : memref<4x8x1024xf32, #tpu.memory_space<vmem>> -> memref<1x8x1024xf32, #tpu.memory_space<vmem>>
      %dma_start3A_170 = tpu.memref_squeeze %dma_start3A_169 : memref<1x8x1024xf32, #tpu.memory_space<vmem>> -> memref<8x1024xf32, #tpu.memory_space<vmem>>
      %dma_start3A_171 = arith.constant 0 : i32
      %dma_start3A_172 = tpu.memref_slice %arg4[%while3A_103, %mul3A_167, %dma_start3A_171] : memref<50x1000x1024xf32, #tpu.memory_space<hbm>> -> memref<1x8x1024xf32, #tpu.memory_space<hbm>>
      %dma_start3A_173 = tpu.memref_squeeze %dma_start3A_172 : memref<1x8x1024xf32, #tpu.memory_space<hbm>> -> memref<8x1024xf32, #tpu.memory_space<hbm>>
      %dma_start3A_174 = tpu.memref_slice %arg8[%select_n3A_118] : memref<4x!tpu.dma_semaphore, #tpu.memory_space<semaphore_mem>> -> memref<1x!tpu.dma_semaphore, #tpu.memory_space<semaphore_mem>>
      %dma_start3A_175 = tpu.memref_squeeze %dma_start3A_174 : memref<1x!tpu.dma_semaphore, #tpu.memory_space<semaphore_mem>> -> memref<!tpu.dma_semaphore, #tpu.memory_space<semaphore_mem>>
      %dma_start3A_176 = arith.constant 0 : i32
      %dma_start3A_177 = tpu.memref_slice %arg4[%while3A_103, %mul3A_167, %dma_start3A_176] : memref<50x1000x1024xf32, #tpu.memory_space<hbm>> -> memref<1x8x1024xf32, #tpu.memory_space<hbm>>
      %dma_start3A_178 = tpu.memref_squeeze %dma_start3A_177 : memref<1x8x1024xf32, #tpu.memory_space<hbm>> -> memref<8x1024xf32, #tpu.memory_space<hbm>>
      %dma_start3A_179 = arith.constant 0 : i32
      %dma_start3A_180 = arith.constant 0 : i32
      %dma_start3A_181 = tpu.memref_slice %arg7[%select_n3A_118, %dma_start3A_179, %dma_start3A_180] : memref<4x8x1024xf32, #tpu.memory_space<vmem>> -> memref<1x8x1024xf32, #tpu.memory_space<vmem>>
      %dma_start3A_182 = tpu.memref_squeeze %dma_start3A_181 : memref<1x8x1024xf32, #tpu.memory_space<vmem>> -> memref<8x1024xf32, #tpu.memory_space<vmem>>
      tpu.enqueue_dma source(%dma_start3A_182 : memref<8x1024xf32, #tpu.memory_space<vmem>>) target(%dma_start3A_178 : memref<8x1024xf32, #tpu.memory_space<hbm>>) target_semaphore(%dma_start3A_175 : memref<!tpu.dma_semaphore, #tpu.memory_space<semaphore_mem>>)
      %add3A_183 = arith.constant 1 : i32
      %add3A_184 = arith.addi %while3A_104, %add3A_183 : i32
      %eq3A_185 = arith.cmpi eq, %add3A_184, %sub3A_47 : i32
      %add3A_186 = arith.constant 1 : i32
      %add3A_187 = arith.addi %while3A_103, %add3A_186 : i32
      %select_n3A_188 = arith.select %eq3A_185, %add3A_187, %while3A_103 : i32
      %add3A_189 = arith.constant 1 : i32
      %add3A_190 = arith.addi %while3A_104, %add3A_189 : i32
      %jit3A_191 = arith.constant 0 : i32
      %select_n3A_192 = arith.select %eq3A_185, %jit3A_191, %add3A_190 : i32
      scf.yield %select_n3A_188, %select_n3A_192 : i32, i32
    }
    %while3A_62 = arith.constant 1 : i32
    %while3A_63:2 = scf.for %while3A_102 = %while3A_59 to %while3A_55 step %while3A_62 iter_args(%while3A_103 = %while3A_61#0, %while3A_104 = %while3A_61#1) -> (i32, i32)  : i32 {
      %jit3A_105 = arith.constant 4 : i32
      %eq3A = arith.constant 0 : i32
      %eq3A_106 = arith.cmpi eq, %jit3A_105, %eq3A : i32
      %jit3A_107 = arith.constant 1 : i32
      %select_n3A_108 = arith.select %eq3A_106, %jit3A_107, %jit3A_105 : i32
      %rem3A_109 = arith.remsi %while3A_102, %select_n3A_108 : i32
      %ne3A_110 = arith.constant 0 : i32
      %ne3A_111 = arith.cmpi ne, %rem3A_109, %ne3A_110 : i32
      %lt3A = arith.constant 0 : i32
      %lt3A_112 = arith.cmpi slt, %rem3A_109, %lt3A : i32
      %lt3A_113 = arith.constant 0 : i32
      %lt3A_114 = arith.cmpi slt, %select_n3A_108, %lt3A_113 : i32
      %ne3A_115 = arith.xori %lt3A_112, %lt3A_114 : i1
      %and3A_116 = arith.andi %ne3A_115, %ne3A_111 : i1
      %add3A_117 = arith.addi %rem3A_109, %select_n3A_108 : i32
      %select_n3A_118 = arith.select %and3A_116, %add3A_117, %rem3A_109 : i32
      %ge3A_119 = arith.constant 4 : i32
      %ge3A_120 = arith.cmpi sge, %while3A_102, %ge3A_119 : i32
      %convert_element_type3A_121 = arith.extui %ge3A_120 : i1 to i32
      %cond3A_122 = arith.constant 0 : i32
      %cond3A_123 = arith.cmpi ne, %convert_element_type3A_121, %cond3A_122 : i32
      scf.if %cond3A_123 {
        %dma_wait3A = arith.constant 0 : i32
        %dma_wait3A_193 = arith.constant 0 : i32
        %dma_wait3A_194 = arith.constant 0 : i32
        %dma_wait3A_195 = tpu.memref_slice %arg7[%select_n3A_118, %dma_wait3A_193, %dma_wait3A_194] : memref<4x8x1024xf32, #tpu.memory_space<vmem>> -> memref<1x8x1024xf32, #tpu.memory_space<vmem>>
        %dma_wait3A_196 = tpu.memref_squeeze %dma_wait3A_195 : memref<1x8x1024xf32, #tpu.memory_space<vmem>> -> memref<8x1024xf32, #tpu.memory_space<vmem>>
        %dma_wait3A_197 = arith.constant 0 : i32
        %dma_wait3A_198 = arith.constant 0 : i32
        %dma_wait3A_199 = tpu.memref_slice %arg4[%dma_wait3A, %dma_wait3A_197, %dma_wait3A_198] : memref<50x1000x1024xf32, #tpu.memory_space<hbm>> -> memref<1x8x1024xf32, #tpu.memory_space<hbm>>
        %dma_wait3A_200 = tpu.memref_squeeze %dma_wait3A_199 : memref<1x8x1024xf32, #tpu.memory_space<hbm>> -> memref<8x1024xf32, #tpu.memory_space<hbm>>
        %dma_wait3A_201 = tpu.memref_slice %arg8[%select_n3A_118] : memref<4x!tpu.dma_semaphore, #tpu.memory_space<semaphore_mem>> -> memref<1x!tpu.dma_semaphore, #tpu.memory_space<semaphore_mem>>
        %dma_wait3A_202 = tpu.memref_squeeze %dma_wait3A_201 : memref<1x!tpu.dma_semaphore, #tpu.memory_space<semaphore_mem>> -> memref<!tpu.dma_semaphore, #tpu.memory_space<semaphore_mem>>
        %dma_wait3A_203 = arith.constant 0 : i32
        %dma_wait3A_204 = arith.constant 0 : i32
        %dma_wait3A_205 = tpu.memref_slice %arg4[%dma_wait3A, %dma_wait3A_203, %dma_wait3A_204] : memref<50x1000x1024xf32, #tpu.memory_space<hbm>> -> memref<1x8x1024xf32, #tpu.memory_space<hbm>>
        %dma_wait3A_206 = tpu.memref_squeeze %dma_wait3A_205 : memref<1x8x1024xf32, #tpu.memory_space<hbm>> -> memref<8x1024xf32, #tpu.memory_space<hbm>>
        %dma_wait3A_207 = arith.constant 0 : i32
        %dma_wait3A_208 = arith.constant 0 : i32
        %dma_wait3A_209 = tpu.memref_slice %arg7[%select_n3A_118, %dma_wait3A_207, %dma_wait3A_208] : memref<4x8x1024xf32, #tpu.memory_space<vmem>> -> memref<1x8x1024xf32, #tpu.memory_space<vmem>>
        %dma_wait3A_210 = tpu.memref_squeeze %dma_wait3A_209 : memref<1x8x1024xf32, #tpu.memory_space<vmem>> -> memref<8x1024xf32, #tpu.memory_space<vmem>>
        tpu.wait_dma2 semaphore(%dma_wait3A_202 : memref<!tpu.dma_semaphore, #tpu.memory_space<semaphore_mem>>) src(%dma_wait3A_210 : memref<8x1024xf32, #tpu.memory_space<vmem>>) dst(%dma_wait3A_206 : memref<8x1024xf32, #tpu.memory_space<hbm>>)
      } else {
      }
      %mul3A_124 = arith.constant 8 : i32
      %mul3A_125 = arith.muli %while3A_104, %mul3A_124 : i32
      %add3A_126 = arith.constant 0 : i32
      %add3A_127 = arith.addi %mul3A_125, %add3A_126 : i32
      %broadcast_in_dim3A = vector.broadcast %add3A_127 : i32 to vector<16xi32>
      %mul3A_128 = arith.constant 8 : i32
      %mul3A_129 = arith.muli %while3A_104, %mul3A_128 : i32
      %add3A_130 = arith.constant 1 : i32
      %add3A_131 = arith.addi %mul3A_129, %add3A_130 : i32
      %broadcast_in_dim3A_132 = vector.broadcast %add3A_131 : i32 to vector<16xi32>
      %mul3A_133 = arith.constant 8 : i32
      %mul3A_134 = arith.muli %while3A_104, %mul3A_133 : i32
      %add3A_135 = arith.constant 2 : i32
      %add3A_136 = arith.addi %mul3A_134, %add3A_135 : i32
      %broadcast_in_dim3A_137 = vector.broadcast %add3A_136 : i32 to vector<16xi32>
      %mul3A_138 = arith.constant 8 : i32
      %mul3A_139 = arith.muli %while3A_104, %mul3A_138 : i32
      %add3A_140 = arith.constant 3 : i32
      %add3A_141 = arith.addi %mul3A_139, %add3A_140 : i32
      %broadcast_in_dim3A_142 = vector.broadcast %add3A_141 : i32 to vector<16xi32>
      %mul3A_143 = arith.constant 8 : i32
      %mul3A_144 = arith.muli %while3A_104, %mul3A_143 : i32
      %add3A_145 = arith.constant 4 : i32
      %add3A_146 = arith.addi %mul3A_144, %add3A_145 : i32
      %broadcast_in_dim3A_147 = vector.broadcast %add3A_146 : i32 to vector<16xi32>
      %mul3A_148 = arith.constant 8 : i32
      %mul3A_149 = arith.muli %while3A_104, %mul3A_148 : i32
      %add3A_150 = arith.constant 5 : i32
      %add3A_151 = arith.addi %mul3A_149, %add3A_150 : i32
      %broadcast_in_dim3A_152 = vector.broadcast %add3A_151 : i32 to vector<16xi32>
      %mul3A_153 = arith.constant 8 : i32
      %mul3A_154 = arith.muli %while3A_104, %mul3A_153 : i32
      %add3A_155 = arith.constant 6 : i32
      %add3A_156 = arith.addi %mul3A_154, %add3A_155 : i32
      %broadcast_in_dim3A_157 = vector.broadcast %add3A_156 : i32 to vector<16xi32>
      %mul3A_158 = arith.constant 8 : i32
      %mul3A_159 = arith.muli %while3A_104, %mul3A_158 : i32
      %add3A_160 = arith.constant 7 : i32
      %add3A_161 = arith.addi %mul3A_159, %add3A_160 : i32
      %broadcast_in_dim3A_162 = vector.broadcast %add3A_161 : i32 to vector<16xi32>
      %parallel_loop3A = arith.constant 0 : i32
      %parallel_loop3A_163 = arith.constant 1024 : i32
      %parallel_loop3A_164 = arith.constant 16 : i32
      scf.for %parallel_loop3A_193 = %parallel_loop3A to %parallel_loop3A_163 step %parallel_loop3A_164  : i32 {
        %parallel_loop3A_194 = arith.index_cast %while3A_103 : i32 to index
        %parallel_loop3A_195 = arith.index_cast %parallel_loop3A_193 : i32 to index
        %parallel_loop3A_196 = tpu.vector_load %arg5[%parallel_loop3A_194, %parallel_loop3A_195] {strides = array<i32>} : memref<50x1024xi32, #tpu.memory_space<vmem>>, vector<16xi32>,
        %parallel_loop3A_197 = tpu.vector_load_idx %arg6[%broadcast_in_dim3A, %parallel_loop3A_196] : memref<32x1000xf32, #tpu.memory_space<vmem>>[vector<16xi32>, vector<16xi32>], vector<16xf32>,
        %parallel_loop3A_198 = arith.constant 0 : i32
        %parallel_loop3A_199 = arith.index_cast %select_n3A_118 : i32 to index
        %parallel_loop3A_200 = arith.index_cast %parallel_loop3A_198 : i32 to index
        %parallel_loop3A_201 = arith.index_cast %parallel_loop3A_193 : i32 to index
        %parallel_loop3A_202 = tpu.vector_load %arg7[%parallel_loop3A_199, %parallel_loop3A_200, %parallel_loop3A_201] {strides = array<i32>} : memref<4x8x1024xf32, #tpu.memory_space<vmem>>, vector<16xf32>,
        tpu.vector_store %arg7[%parallel_loop3A_199, %parallel_loop3A_200, %parallel_loop3A_201], %parallel_loop3A_197 {strides = array<i32>} : memref<4x8x1024xf32, #tpu.memory_space<vmem>>, vector<16xf32>,
        %parallel_loop3A_203 = tpu.vector_load_idx %arg6[%broadcast_in_dim3A_132, %parallel_loop3A_196] : memref<32x1000xf32, #tpu.memory_space<vmem>>[vector<16xi32>, vector<16xi32>], vector<16xf32>,
        %parallel_loop3A_204 = arith.constant 1 : i32
        %parallel_loop3A_205 = arith.index_cast %select_n3A_118 : i32 to index
        %parallel_loop3A_206 = arith.index_cast %parallel_loop3A_204 : i32 to index
        %parallel_loop3A_207 = arith.index_cast %parallel_loop3A_193 : i32 to index
        %parallel_loop3A_208 = tpu.vector_load %arg7[%parallel_loop3A_205, %parallel_loop3A_206, %parallel_loop3A_207] {strides = array<i32>} : memref<4x8x1024xf32, #tpu.memory_space<vmem>>, vector<16xf32>,
        tpu.vector_store %arg7[%parallel_loop3A_205, %parallel_loop3A_206, %parallel_loop3A_207], %parallel_loop3A_203 {strides = array<i32>} : memref<4x8x1024xf32, #tpu.memory_space<vmem>>, vector<16xf32>,
        %parallel_loop3A_209 = tpu.vector_load_idx %arg6[%broadcast_in_dim3A_137, %parallel_loop3A_196] : memref<32x1000xf32, #tpu.memory_space<vmem>>[vector<16xi32>, vector<16xi32>], vector<16xf32>,
        %parallel_loop3A_210 = arith.constant 2 : i32
        %parallel_loop3A_211 = arith.index_cast %select_n3A_118 : i32 to index
        %parallel_loop3A_212 = arith.index_cast %parallel_loop3A_210 : i32 to index
        %parallel_loop3A_213 = arith.index_cast %parallel_loop3A_193 : i32 to index
        %parallel_loop3A_214 = tpu.vector_load %arg7[%parallel_loop3A_211, %parallel_loop3A_212, %parallel_loop3A_213] {strides = array<i32>} : memref<4x8x1024xf32, #tpu.memory_space<vmem>>, vector<16xf32>,
        tpu.vector_store %arg7[%parallel_loop3A_211, %parallel_loop3A_212, %parallel_loop3A_213], %parallel_loop3A_209 {strides = array<i32>} : memref<4x8x1024xf32, #tpu.memory_space<vmem>>, vector<16xf32>,
        %parallel_loop3A_215 = tpu.vector_load_idx %arg6[%broadcast_in_dim3A_142, %parallel_loop3A_196] : memref<32x1000xf32, #tpu.memory_space<vmem>>[vector<16xi32>, vector<16xi32>], vector<16xf32>,
        %parallel_loop3A_216 = arith.constant 3 : i32
        %parallel_loop3A_217 = arith.index_cast %select_n3A_118 : i32 to index
        %parallel_loop3A_218 = arith.index_cast %parallel_loop3A_216 : i32 to index
        %parallel_loop3A_219 = arith.index_cast %parallel_loop3A_193 : i32 to index
        %parallel_loop3A_220 = tpu.vector_load %arg7[%parallel_loop3A_217, %parallel_loop3A_218, %parallel_loop3A_219] {strides = array<i32>} : memref<4x8x1024xf32, #tpu.memory_space<vmem>>, vector<16xf32>,
        tpu.vector_store %arg7[%parallel_loop3A_217, %parallel_loop3A_218, %parallel_loop3A_219], %parallel_loop3A_215 {strides = array<i32>} : memref<4x8x1024xf32, #tpu.memory_space<vmem>>, vector<16xf32>,
        %parallel_loop3A_221 = tpu.vector_load_idx %arg6[%broadcast_in_dim3A_147, %parallel_loop3A_196] : memref<32x1000xf32, #tpu.memory_space<vmem>>[vector<16xi32>, vector<16xi32>], vector<16xf32>,
        %parallel_loop3A_222 = arith.constant 4 : i32
        %parallel_loop3A_223 = arith.index_cast %select_n3A_118 : i32 to index
        %parallel_loop3A_224 = arith.index_cast %parallel_loop3A_222 : i32 to index
        %parallel_loop3A_225 = arith.index_cast %parallel_loop3A_193 : i32 to index
        %parallel_loop3A_226 = tpu.vector_load %arg7[%parallel_loop3A_223, %parallel_loop3A_224, %parallel_loop3A_225] {strides = array<i32>} : memref<4x8x1024xf32, #tpu.memory_space<vmem>>, vector<16xf32>,
        tpu.vector_store %arg7[%parallel_loop3A_223, %parallel_loop3A_224, %parallel_loop3A_225], %parallel_loop3A_221 {strides = array<i32>} : memref<4x8x1024xf32, #tpu.memory_space<vmem>>, vector<16xf32>,
        %parallel_loop3A_227 = tpu.vector_load_idx %arg6[%broadcast_in_dim3A_152, %parallel_loop3A_196] : memref<32x1000xf32, #tpu.memory_space<vmem>>[vector<16xi32>, vector<16xi32>], vector<16xf32>,
        %parallel_loop3A_228 = arith.constant 5 : i32
        %parallel_loop3A_229 = arith.index_cast %select_n3A_118 : i32 to index
        %parallel_loop3A_230 = arith.index_cast %parallel_loop3A_228 : i32 to index
        %parallel_loop3A_231 = arith.index_cast %parallel_loop3A_193 : i32 to index
        %parallel_loop3A_232 = tpu.vector_load %arg7[%parallel_loop3A_229, %parallel_loop3A_230, %parallel_loop3A_231] {strides = array<i32>} : memref<4x8x1024xf32, #tpu.memory_space<vmem>>, vector<16xf32>,
        tpu.vector_store %arg7[%parallel_loop3A_229, %parallel_loop3A_230, %parallel_loop3A_231], %parallel_loop3A_227 {strides = array<i32>} : memref<4x8x1024xf32, #tpu.memory_space<vmem>>, vector<16xf32>,
        %parallel_loop3A_233 = tpu.vector_load_idx %arg6[%broadcast_in_dim3A_157, %parallel_loop3A_196] : memref<32x1000xf32, #tpu.memory_space<vmem>>[vector<16xi32>, vector<16xi32>], vector<16xf32>,
        %parallel_loop3A_234 = arith.constant 6 : i32
        %parallel_loop3A_235 = arith.index_cast %select_n3A_118 : i32 to index
        %parallel_loop3A_236 = arith.index_cast %parallel_loop3A_234 : i32 to index
        %parallel_loop3A_237 = arith.index_cast %parallel_loop3A_193 : i32 to index
        %parallel_loop3A_238 = tpu.vector_load %arg7[%parallel_loop3A_235, %parallel_loop3A_236, %parallel_loop3A_237] {strides = array<i32>} : memref<4x8x1024xf32, #tpu.memory_space<vmem>>, vector<16xf32>,
        tpu.vector_store %arg7[%parallel_loop3A_235, %parallel_loop3A_236, %parallel_loop3A_237], %parallel_loop3A_233 {strides = array<i32>} : memref<4x8x1024xf32, #tpu.memory_space<vmem>>, vector<16xf32>,
        %parallel_loop3A_239 = tpu.vector_load_idx %arg6[%broadcast_in_dim3A_162, %parallel_loop3A_196] : memref<32x1000xf32, #tpu.memory_space<vmem>>[vector<16xi32>, vector<16xi32>], vector<16xf32>,
        %parallel_loop3A_240 = arith.constant 7 : i32
        %parallel_loop3A_241 = arith.index_cast %select_n3A_118 : i32 to index
        %parallel_loop3A_242 = arith.index_cast %parallel_loop3A_240 : i32 to index
        %parallel_loop3A_243 = arith.index_cast %parallel_loop3A_193 : i32 to index
        %parallel_loop3A_244 = tpu.vector_load %arg7[%parallel_loop3A_241, %parallel_loop3A_242, %parallel_loop3A_243] {strides = array<i32>} : memref<4x8x1024xf32, #tpu.memory_space<vmem>>, vector<16xf32>,
        tpu.vector_store %arg7[%parallel_loop3A_241, %parallel_loop3A_242, %parallel_loop3A_243], %parallel_loop3A_239 {strides = array<i32>} : memref<4x8x1024xf32, #tpu.memory_space<vmem>>, vector<16xf32>,
      } {sc.loop_unroll_factor = 4 : i64, sc.parallel_access}
      %add3A_165 = arith.addi %select_n3A, %while3A_104 : i32
      %mul3A_166 = arith.constant 8 : i32
      %mul3A_167 = arith.muli %add3A_165, %mul3A_166 : i32
      %dma_start3A = arith.constant 0 : i32
      %dma_start3A_168 = arith.constant 0 : i32
      %dma_start3A_169 = tpu.memref_slice %arg7[%select_n3A_118, %dma_start3A, %dma_start3A_168] : memref<4x8x1024xf32, #tpu.memory_space<vmem>> -> memref<1x8x1024xf32, #tpu.memory_space<vmem>>
      %dma_start3A_170 = tpu.memref_squeeze %dma_start3A_169 : memref<1x8x1024xf32, #tpu.memory_space<vmem>> -> memref<8x1024xf32, #tpu.memory_space<vmem>>
      %dma_start3A_171 = arith.constant 0 : i32
      %dma_start3A_172 = tpu.memref_slice %arg4[%while3A_103, %mul3A_167, %dma_start3A_171] : memref<50x1000x1024xf32, #tpu.memory_space<hbm>> -> memref<1x8x1024xf32, #tpu.memory_space<hbm>>
      %dma_start3A_173 = tpu.memref_squeeze %dma_start3A_172 : memref<1x8x1024xf32, #tpu.memory_space<hbm>> -> memref<8x1024xf32, #tpu.memory_space<hbm>>
      %dma_start3A_174 = tpu.memref_slice %arg8[%select_n3A_118] : memref<4x!tpu.dma_semaphore, #tpu.memory_space<semaphore_mem>> -> memref<1x!tpu.dma_semaphore, #tpu.memory_space<semaphore_mem>>
      %dma_start3A_175 = tpu.memref_squeeze %dma_start3A_174 : memref<1x!tpu.dma_semaphore, #tpu.memory_space<semaphore_mem>> -> memref<!tpu.dma_semaphore, #tpu.memory_space<semaphore_mem>>
      %dma_start3A_176 = arith.constant 0 : i32
      %dma_start3A_177 = tpu.memref_slice %arg4[%while3A_103, %mul3A_167, %dma_start3A_176] : memref<50x1000x1024xf32, #tpu.memory_space<hbm>> -> memref<1x8x1024xf32, #tpu.memory_space<hbm>>
      %dma_start3A_178 = tpu.memref_squeeze %dma_start3A_177 : memref<1x8x1024xf32, #tpu.memory_space<hbm>> -> memref<8x1024xf32, #tpu.memory_space<hbm>>
      %dma_start3A_179 = arith.constant 0 : i32
      %dma_start3A_180 = arith.constant 0 : i32
      %dma_start3A_181 = tpu.memref_slice %arg7[%select_n3A_118, %dma_start3A_179, %dma_start3A_180] : memref<4x8x1024xf32, #tpu.memory_space<vmem>> -> memref<1x8x1024xf32, #tpu.memory_space<vmem>>
      %dma_start3A_182 = tpu.memref_squeeze %dma_start3A_181 : memref<1x8x1024xf32, #tpu.memory_space<vmem>> -> memref<8x1024xf32, #tpu.memory_space<vmem>>
      tpu.enqueue_dma source(%dma_start3A_182 : memref<8x1024xf32, #tpu.memory_space<vmem>>) target(%dma_start3A_178 : memref<8x1024xf32, #tpu.memory_space<hbm>>) target_semaphore(%dma_start3A_175 : memref<!tpu.dma_semaphore, #tpu.memory_space<semaphore_mem>>)
      %add3A_183 = arith.constant 1 : i32
      %add3A_184 = arith.addi %while3A_104, %add3A_183 : i32
      %eq3A_185 = arith.cmpi eq, %add3A_184, %sub3A_47 : i32
      %add3A_186 = arith.constant 1 : i32
      %add3A_187 = arith.addi %while3A_103, %add3A_186 : i32
      %select_n3A_188 = arith.select %eq3A_185, %add3A_187, %while3A_103 : i32
      %add3A_189 = arith.constant 1 : i32
      %add3A_190 = arith.addi %while3A_104, %add3A_189 : i32
      %jit3A_191 = arith.constant 0 : i32
      %select_n3A_192 = arith.select %eq3A_185, %jit3A_191, %add3A_190 : i32
      scf.yield %select_n3A_188, %select_n3A_192 : i32, i32
    }
    %scan3A = arith.constant 0 : i32
    %scan3A_64 = arith.constant 0 : i32
    %sub3A_65 = arith.constant 4 : i32
    %sub3A_66 = arith.subi %mul3A_51, %sub3A_65 : i32
    %add3A_67 = arith.addi %sub3A_66, %scan3A_64 : i32
    %ge3A = arith.constant 0 : i32
    %ge3A_68 = arith.cmpi sge, %add3A_67, %ge3A : i32
    %convert_element_type3A = arith.extui %ge3A_68 : i1 to i32
    %cond3A = arith.constant 0 : i32
    %cond3A_69 = arith.cmpi ne, %convert_element_type3A, %cond3A : i32
    scf.if %cond3A_69 {
      %jit3A_102 = arith.constant 4 : i32
      %eq3A = arith.constant 0 : i32
      %eq3A_103 = arith.cmpi eq, %jit3A_102, %eq3A : i32
      %jit3A_104 = arith.constant 1 : i32
      %select_n3A_105 = arith.select %eq3A_103, %jit3A_104, %jit3A_102 : i32
      %rem3A_106 = arith.remsi %add3A_67, %select_n3A_105 : i32
      %ne3A_107 = arith.constant 0 : i32
      %ne3A_108 = arith.cmpi ne, %rem3A_106, %ne3A_107 : i32
      %lt3A = arith.constant 0 : i32
      %lt3A_109 = arith.cmpi slt, %rem3A_106, %lt3A : i32
      %lt3A_110 = arith.constant 0 : i32
      %lt3A_111 = arith.cmpi slt, %select_n3A_105, %lt3A_110 : i32
      %ne3A_112 = arith.xori %lt3A_109, %lt3A_111 : i1
      %and3A_113 = arith.andi %ne3A_112, %ne3A_108 : i1
      %add3A_114 = arith.addi %rem3A_106, %select_n3A_105 : i32
      %select_n3A_115 = arith.select %and3A_113, %add3A_114, %rem3A_106 : i32
      %jit3A_116 = arith.constant 4 : i32
      %eq3A_117 = arith.constant 0 : i32
      %eq3A_118 = arith.cmpi eq, %jit3A_116, %eq3A_117 : i32
      %jit3A_119 = arith.constant 1 : i32
      %select_n3A_120 = arith.select %eq3A_118, %jit3A_119, %jit3A_116 : i32
      %rem3A_121 = arith.remsi %add3A_67, %select_n3A_120 : i32
      %ne3A_122 = arith.constant 0 : i32
      %ne3A_123 = arith.cmpi ne, %rem3A_121, %ne3A_122 : i32
      %lt3A_124 = arith.constant 0 : i32
      %lt3A_125 = arith.cmpi slt, %rem3A_121, %lt3A_124 : i32
      %lt3A_126 = arith.constant 0 : i32
      %lt3A_127 = arith.cmpi slt, %select_n3A_120, %lt3A_126 : i32
      %ne3A_128 = arith.xori %lt3A_125, %lt3A_127 : i1
      %and3A_129 = arith.andi %ne3A_128, %ne3A_123 : i1
      %add3A_130 = arith.addi %rem3A_121, %select_n3A_120 : i32
      %select_n3A_131 = arith.select %and3A_129, %add3A_130, %rem3A_121 : i32
      %dma_wait3A = arith.constant 0 : i32
      %dma_wait3A_132 = arith.constant 0 : i32
      %dma_wait3A_133 = arith.constant 0 : i32
      %dma_wait3A_134 = tpu.memref_slice %arg7[%select_n3A_115, %dma_wait3A_132, %dma_wait3A_133] : memref<4x8x1024xf32, #tpu.memory_space<vmem>> -> memref<1x8x1024xf32, #tpu.memory_space<vmem>>
      %dma_wait3A_135 = tpu.memref_squeeze %dma_wait3A_134 : memref<1x8x1024xf32, #tpu.memory_space<vmem>> -> memref<8x1024xf32, #tpu.memory_space<vmem>>
      %dma_wait3A_136 = arith.constant 0 : i32
      %dma_wait3A_137 = arith.constant 0 : i32
      %dma_wait3A_138 = tpu.memref_slice %arg4[%dma_wait3A, %dma_wait3A_136, %dma_wait3A_137] : memref<50x1000x1024xf32, #tpu.memory_space<hbm>> -> memref<1x8x1024xf32, #tpu.memory_space<hbm>>
      %dma_wait3A_139 = tpu.memref_squeeze %dma_wait3A_138 : memref<1x8x1024xf32, #tpu.memory_space<hbm>> -> memref<8x1024xf32, #tpu.memory_space<hbm>>
      %dma_wait3A_140 = tpu.memref_slice %arg8[%select_n3A_131] : memref<4x!tpu.dma_semaphore, #tpu.memory_space<semaphore_mem>> -> memref<1x!tpu.dma_semaphore, #tpu.memory_space<semaphore_mem>>
      %dma_wait3A_141 = tpu.memref_squeeze %dma_wait3A_140 : memref<1x!tpu.dma_semaphore, #tpu.memory_space<semaphore_mem>> -> memref<!tpu.dma_semaphore, #tpu.memory_space<semaphore_mem>>
      %dma_wait3A_142 = arith.constant 0 : i32
      %dma_wait3A_143 = arith.constant 0 : i32
      %dma_wait3A_144 = tpu.memref_slice %arg4[%dma_wait3A, %dma_wait3A_142, %dma_wait3A_143] : memref<50x1000x1024xf32, #tpu.memory_space<hbm>> -> memref<1x8x1024xf32, #tpu.memory_space<hbm>>
      %dma_wait3A_145 = tpu.memref_squeeze %dma_wait3A_144 : memref<1x8x1024xf32, #tpu.memory_space<hbm>> -> memref<8x1024xf32, #tpu.memory_space<hbm>>
      %dma_wait3A_146 = arith.constant 0 : i32
      %dma_wait3A_147 = arith.constant 0 : i32
      %dma_wait3A_148 = tpu.memref_slice %arg7[%select_n3A_115, %dma_wait3A_146, %dma_wait3A_147] : memref<4x8x1024xf32, #tpu.memory_space<vmem>> -> memref<1x8x1024xf32, #tpu.memory_space<vmem>>
      %dma_wait3A_149 = tpu.memref_squeeze %dma_wait3A_148 : memref<1x8x1024xf32, #tpu.memory_space<vmem>> -> memref<8x1024xf32, #tpu.memory_space<vmem>>
      tpu.wait_dma2 semaphore(%dma_wait3A_141 : memref<!tpu.dma_semaphore, #tpu.memory_space<semaphore_mem>>) src(%dma_wait3A_149 : memref<8x1024xf32, #tpu.memory_space<vmem>>) dst(%dma_wait3A_145 : memref<8x1024xf32, #tpu.memory_space<hbm>>)
    } else {
    }
    %scan3A_70 = arith.constant 0 : i32
    %scan3A_71 = arith.constant 1 : i32
    %sub3A_72 = arith.constant 4 : i32
    %sub3A_73 = arith.subi %mul3A_51, %sub3A_72 : i32
    %add3A_74 = arith.addi %sub3A_73, %scan3A_71 : i32
    %ge3A_75 = arith.constant 0 : i32
    %ge3A_76 = arith.cmpi sge, %add3A_74, %ge3A_75 : i32
    %convert_element_type3A_77 = arith.extui %ge3A_76 : i1 to i32
    %cond3A_78 = arith.constant 0 : i32
    %cond3A_79 = arith.cmpi ne, %convert_element_type3A_77, %cond3A_78 : i32
    scf.if %cond3A_79 {
      %jit3A_102 = arith.constant 4 : i32
      %eq3A = arith.constant 0 : i32
      %eq3A_103 = arith.cmpi eq, %jit3A_102, %eq3A : i32
      %jit3A_104 = arith.constant 1 : i32
      %select_n3A_105 = arith.select %eq3A_103, %jit3A_104, %jit3A_102 : i32
      %rem3A_106 = arith.remsi %add3A_74, %select_n3A_105 : i32
      %ne3A_107 = arith.constant 0 : i32
      %ne3A_108 = arith.cmpi ne, %rem3A_106, %ne3A_107 : i32
      %lt3A = arith.constant 0 : i32
      %lt3A_109 = arith.cmpi slt, %rem3A_106, %lt3A : i32
      %lt3A_110 = arith.constant 0 : i32
      %lt3A_111 = arith.cmpi slt, %select_n3A_105, %lt3A_110 : i32
      %ne3A_112 = arith.xori %lt3A_109, %lt3A_111 : i1
      %and3A_113 = arith.andi %ne3A_112, %ne3A_108 : i1
      %add3A_114 = arith.addi %rem3A_106, %select_n3A_105 : i32
      %select_n3A_115 = arith.select %and3A_113, %add3A_114, %rem3A_106 : i32
      %jit3A_116 = arith.constant 4 : i32
      %eq3A_117 = arith.constant 0 : i32
      %eq3A_118 = arith.cmpi eq, %jit3A_116, %eq3A_117 : i32
      %jit3A_119 = arith.constant 1 : i32
      %select_n3A_120 = arith.select %eq3A_118, %jit3A_119, %jit3A_116 : i32
      %rem3A_121 = arith.remsi %add3A_74, %select_n3A_120 : i32
      %ne3A_122 = arith.constant 0 : i32
      %ne3A_123 = arith.cmpi ne, %rem3A_121, %ne3A_122 : i32
      %lt3A_124 = arith.constant 0 : i32
      %lt3A_125 = arith.cmpi slt, %rem3A_121, %lt3A_124 : i32
      %lt3A_126 = arith.constant 0 : i32
      %lt3A_127 = arith.cmpi slt, %select_n3A_120, %lt3A_126 : i32
      %ne3A_128 = arith.xori %lt3A_125, %lt3A_127 : i1
      %and3A_129 = arith.andi %ne3A_128, %ne3A_123 : i1
      %add3A_130 = arith.addi %rem3A_121, %select_n3A_120 : i32
      %select_n3A_131 = arith.select %and3A_129, %add3A_130, %rem3A_121 : i32
      %dma_wait3A = arith.constant 0 : i32
      %dma_wait3A_132 = arith.constant 0 : i32
      %dma_wait3A_133 = arith.constant 0 : i32
      %dma_wait3A_134 = tpu.memref_slice %arg7[%select_n3A_115, %dma_wait3A_132, %dma_wait3A_133] : memref<4x8x1024xf32, #tpu.memory_space<vmem>> -> memref<1x8x1024xf32, #tpu.memory_space<vmem>>
      %dma_wait3A_135 = tpu.memref_squeeze %dma_wait3A_134 : memref<1x8x1024xf32, #tpu.memory_space<vmem>> -> memref<8x1024xf32, #tpu.memory_space<vmem>>
      %dma_wait3A_136 = arith.constant 0 : i32
      %dma_wait3A_137 = arith.constant 0 : i32
      %dma_wait3A_138 = tpu.memref_slice %arg4[%dma_wait3A, %dma_wait3A_136, %dma_wait3A_137] : memref<50x1000x1024xf32, #tpu.memory_space<hbm>> -> memref<1x8x1024xf32, #tpu.memory_space<hbm>>
      %dma_wait3A_139 = tpu.memref_squeeze %dma_wait3A_138 : memref<1x8x1024xf32, #tpu.memory_space<hbm>> -> memref<8x1024xf32, #tpu.memory_space<hbm>>
      %dma_wait3A_140 = tpu.memref_slice %arg8[%select_n3A_131] : memref<4x!tpu.dma_semaphore, #tpu.memory_space<semaphore_mem>> -> memref<1x!tpu.dma_semaphore, #tpu.memory_space<semaphore_mem>>
      %dma_wait3A_141 = tpu.memref_squeeze %dma_wait3A_140 : memref<1x!tpu.dma_semaphore, #tpu.memory_space<semaphore_mem>> -> memref<!tpu.dma_semaphore, #tpu.memory_space<semaphore_mem>>
      %dma_wait3A_142 = arith.constant 0 : i32
      %dma_wait3A_143 = arith.constant 0 : i32
      %dma_wait3A_144 = tpu.memref_slice %arg4[%dma_wait3A, %dma_wait3A_142, %dma_wait3A_143] : memref<50x1000x1024xf32, #tpu.memory_space<hbm>> -> memref<1x8x1024xf32, #tpu.memory_space<hbm>>
      %dma_wait3A_145 = tpu.memref_squeeze %dma_wait3A_144 : memref<1x8x1024xf32, #tpu.memory_space<hbm>> -> memref<8x1024xf32, #tpu.memory_space<hbm>>
      %dma_wait3A_146 = arith.constant 0 : i32
      %dma_wait3A_147 = arith.constant 0 : i32
      %dma_wait3A_148 = tpu.memref_slice %arg7[%select_n3A_115, %dma_wait3A_146, %dma_wait3A_147] : memref<4x8x1024xf32, #tpu.memory_space<vmem>> -> memref<1x8x1024xf32, #tpu.memory_space<vmem>>
      %dma_wait3A_149 = tpu.memref_squeeze %dma_wait3A_148 : memref<1x8x1024xf32, #tpu.memory_space<vmem>> -> memref<8x1024xf32, #tpu.memory_space<vmem>>
      tpu.wait_dma2 semaphore(%dma_wait3A_141 : memref<!tpu.dma_semaphore, #tpu.memory_space<semaphore_mem>>) src(%dma_wait3A_149 : memref<8x1024xf32, #tpu.memory_space<vmem>>) dst(%dma_wait3A_145 : memref<8x1024xf32, #tpu.memory_space<hbm>>)
    } else {
    }
    %scan3A_80 = arith.constant 0 : i32
    %scan3A_81 = arith.constant 2 : i32
    %sub3A_82 = arith.constant 4 : i32
    %sub3A_83 = arith.subi %mul3A_51, %sub3A_82 : i32
    %add3A_84 = arith.addi %sub3A_83, %scan3A_81 : i32
    %ge3A_85 = arith.constant 0 : i32
    %ge3A_86 = arith.cmpi sge, %add3A_84, %ge3A_85 : i32
    %convert_element_type3A_87 = arith.extui %ge3A_86 : i1 to i32
    %cond3A_88 = arith.constant 0 : i32
    %cond3A_89 = arith.cmpi ne, %convert_element_type3A_87, %cond3A_88 : i32
    scf.if %cond3A_89 {
      %jit3A_102 = arith.constant 4 : i32
      %eq3A = arith.constant 0 : i32
      %eq3A_103 = arith.cmpi eq, %jit3A_102, %eq3A : i32
      %jit3A_104 = arith.constant 1 : i32
      %select_n3A_105 = arith.select %eq3A_103, %jit3A_104, %jit3A_102 : i32
      %rem3A_106 = arith.remsi %add3A_84, %select_n3A_105 : i32
      %ne3A_107 = arith.constant 0 : i32
      %ne3A_108 = arith.cmpi ne, %rem3A_106, %ne3A_107 : i32
      %lt3A = arith.constant 0 : i32
      %lt3A_109 = arith.cmpi slt, %rem3A_106, %lt3A : i32
      %lt3A_110 = arith.constant 0 : i32
      %lt3A_111 = arith.cmpi slt, %select_n3A_105, %lt3A_110 : i32
      %ne3A_112 = arith.xori %lt3A_109, %lt3A_111 : i1
      %and3A_113 = arith.andi %ne3A_112, %ne3A_108 : i1
      %add3A_114 = arith.addi %rem3A_106, %select_n3A_105 : i32
      %select_n3A_115 = arith.select %and3A_113, %add3A_114, %rem3A_106 : i32
      %jit3A_116 = arith.constant 4 : i32
      %eq3A_117 = arith.constant 0 : i32
      %eq3A_118 = arith.cmpi eq, %jit3A_116, %eq3A_117 : i32
      %jit3A_119 = arith.constant 1 : i32
      %select_n3A_120 = arith.select %eq3A_118, %jit3A_119, %jit3A_116 : i32
      %rem3A_121 = arith.remsi %add3A_84, %select_n3A_120 : i32
      %ne3A_122 = arith.constant 0 : i32
      %ne3A_123 = arith.cmpi ne, %rem3A_121, %ne3A_122 : i32
      %lt3A_124 = arith.constant 0 : i32
      %lt3A_125 = arith.cmpi slt, %rem3A_121, %lt3A_124 : i32
      %lt3A_126 = arith.constant 0 : i32
      %lt3A_127 = arith.cmpi slt, %select_n3A_120, %lt3A_126 : i32
      %ne3A_128 = arith.xori %lt3A_125, %lt3A_127 : i1
      %and3A_129 = arith.andi %ne3A_128, %ne3A_123 : i1
      %add3A_130 = arith.addi %rem3A_121, %select_n3A_120 : i32
      %select_n3A_131 = arith.select %and3A_129, %add3A_130, %rem3A_121 : i32
      %dma_wait3A = arith.constant 0 : i32
      %dma_wait3A_132 = arith.constant 0 : i32
      %dma_wait3A_133 = arith.constant 0 : i32
      %dma_wait3A_134 = tpu.memref_slice %arg7[%select_n3A_115, %dma_wait3A_132, %dma_wait3A_133] : memref<4x8x1024xf32, #tpu.memory_space<vmem>> -> memref<1x8x1024xf32, #tpu.memory_space<vmem>>
      %dma_wait3A_135 = tpu.memref_squeeze %dma_wait3A_134 : memref<1x8x1024xf32, #tpu.memory_space<vmem>> -> memref<8x1024xf32, #tpu.memory_space<vmem>>
      %dma_wait3A_136 = arith.constant 0 : i32
      %dma_wait3A_137 = arith.constant 0 : i32
      %dma_wait3A_138 = tpu.memref_slice %arg4[%dma_wait3A, %dma_wait3A_136, %dma_wait3A_137] : memref<50x1000x1024xf32, #tpu.memory_space<hbm>> -> memref<1x8x1024xf32, #tpu.memory_space<hbm>>
      %dma_wait3A_139 = tpu.memref_squeeze %dma_wait3A_138 : memref<1x8x1024xf32, #tpu.memory_space<hbm>> -> memref<8x1024xf32, #tpu.memory_space<hbm>>
      %dma_wait3A_140 = tpu.memref_slice %arg8[%select_n3A_131] : memref<4x!tpu.dma_semaphore, #tpu.memory_space<semaphore_mem>> -> memref<1x!tpu.dma_semaphore, #tpu.memory_space<semaphore_mem>>
      %dma_wait3A_141 = tpu.memref_squeeze %dma_wait3A_140 : memref<1x!tpu.dma_semaphore, #tpu.memory_space<semaphore_mem>> -> memref<!tpu.dma_semaphore, #tpu.memory_space<semaphore_mem>>
      %dma_wait3A_142 = arith.constant 0 : i32
      %dma_wait3A_143 = arith.constant 0 : i32
      %dma_wait3A_144 = tpu.memref_slice %arg4[%dma_wait3A, %dma_wait3A_142, %dma_wait3A_143] : memref<50x1000x1024xf32, #tpu.memory_space<hbm>> -> memref<1x8x1024xf32, #tpu.memory_space<hbm>>
      %dma_wait3A_145 = tpu.memref_squeeze %dma_wait3A_144 : memref<1x8x1024xf32, #tpu.memory_space<hbm>> -> memref<8x1024xf32, #tpu.memory_space<hbm>>
      %dma_wait3A_146 = arith.constant 0 : i32
      %dma_wait3A_147 = arith.constant 0 : i32
      %dma_wait3A_148 = tpu.memref_slice %arg7[%select_n3A_115, %dma_wait3A_146, %dma_wait3A_147] : memref<4x8x1024xf32, #tpu.memory_space<vmem>> -> memref<1x8x1024xf32, #tpu.memory_space<vmem>>
      %dma_wait3A_149 = tpu.memref_squeeze %dma_wait3A_148 : memref<1x8x1024xf32, #tpu.memory_space<vmem>> -> memref<8x1024xf32, #tpu.memory_space<vmem>>
      tpu.wait_dma2 semaphore(%dma_wait3A_141 : memref<!tpu.dma_semaphore, #tpu.memory_space<semaphore_mem>>) src(%dma_wait3A_149 : memref<8x1024xf32, #tpu.memory_space<vmem>>) dst(%dma_wait3A_145 : memref<8x1024xf32, #tpu.memory_space<hbm>>)
    } else {
    }
    %scan3A_90 = arith.constant 0 : i32
    %scan3A_91 = arith.constant 3 : i32
    %sub3A_92 = arith.constant 4 : i32
    %sub3A_93 = arith.subi %mul3A_51, %sub3A_92 : i32
    %add3A_94 = arith.addi %sub3A_93, %scan3A_91 : i32
    %ge3A_95 = arith.constant 0 : i32
    %ge3A_96 = arith.cmpi sge, %add3A_94, %ge3A_95 : i32
    %convert_element_type3A_97 = arith.extui %ge3A_96 : i1 to i32
    %cond3A_98 = arith.constant 0 : i32
    %cond3A_99 = arith.cmpi ne, %convert_element_type3A_97, %cond3A_98 : i32
    scf.if %cond3A_99 {
      %jit3A_102 = arith.constant 4 : i32
      %eq3A = arith.constant 0 : i32
      %eq3A_103 = arith.cmpi eq, %jit3A_102, %eq3A : i32
      %jit3A_104 = arith.constant 1 : i32
      %select_n3A_105 = arith.select %eq3A_103, %jit3A_104, %jit3A_102 : i32
      %rem3A_106 = arith.remsi %add3A_94, %select_n3A_105 : i32
      %ne3A_107 = arith.constant 0 : i32
      %ne3A_108 = arith.cmpi ne, %rem3A_106, %ne3A_107 : i32
      %lt3A = arith.constant 0 : i32
      %lt3A_109 = arith.cmpi slt, %rem3A_106, %lt3A : i32
      %lt3A_110 = arith.constant 0 : i32
      %lt3A_111 = arith.cmpi slt, %select_n3A_105, %lt3A_110 : i32
      %ne3A_112 = arith.xori %lt3A_109, %lt3A_111 : i1
      %and3A_113 = arith.andi %ne3A_112, %ne3A_108 : i1
      %add3A_114 = arith.addi %rem3A_106, %select_n3A_105 : i32
      %select_n3A_115 = arith.select %and3A_113, %add3A_114, %rem3A_106 : i32
      %jit3A_116 = arith.constant 4 : i32
      %eq3A_117 = arith.constant 0 : i32
      %eq3A_118 = arith.cmpi eq, %jit3A_116, %eq3A_117 : i32
      %jit3A_119 = arith.constant 1 : i32
      %select_n3A_120 = arith.select %eq3A_118, %jit3A_119, %jit3A_116 : i32
      %rem3A_121 = arith.remsi %add3A_94, %select_n3A_120 : i32
      %ne3A_122 = arith.constant 0 : i32
      %ne3A_123 = arith.cmpi ne, %rem3A_121, %ne3A_122 : i32
      %lt3A_124 = arith.constant 0 : i32
      %lt3A_125 = arith.cmpi slt, %rem3A_121, %lt3A_124 : i32
      %lt3A_126 = arith.constant 0 : i32
      %lt3A_127 = arith.cmpi slt, %select_n3A_120, %lt3A_126 : i32
      %ne3A_128 = arith.xori %lt3A_125, %lt3A_127 : i1
      %and3A_129 = arith.andi %ne3A_128, %ne3A_123 : i1
      %add3A_130 = arith.addi %rem3A_121, %select_n3A_120 : i32
      %select_n3A_131 = arith.select %and3A_129, %add3A_130, %rem3A_121 : i32
      %dma_wait3A = arith.constant 0 : i32
      %dma_wait3A_132 = arith.constant 0 : i32
      %dma_wait3A_133 = arith.constant 0 : i32
      %dma_wait3A_134 = tpu.memref_slice %arg7[%select_n3A_115, %dma_wait3A_132, %dma_wait3A_133] : memref<4x8x1024xf32, #tpu.memory_space<vmem>> -> memref<1x8x1024xf32, #tpu.memory_space<vmem>>
      %dma_wait3A_135 = tpu.memref_squeeze %dma_wait3A_134 : memref<1x8x1024xf32, #tpu.memory_space<vmem>> -> memref<8x1024xf32, #tpu.memory_space<vmem>>
      %dma_wait3A_136 = arith.constant 0 : i32
      %dma_wait3A_137 = arith.constant 0 : i32
      %dma_wait3A_138 = tpu.memref_slice %arg4[%dma_wait3A, %dma_wait3A_136, %dma_wait3A_137] : memref<50x1000x1024xf32, #tpu.memory_space<hbm>> -> memref<1x8x1024xf32, #tpu.memory_space<hbm>>
      %dma_wait3A_139 = tpu.memref_squeeze %dma_wait3A_138 : memref<1x8x1024xf32, #tpu.memory_space<hbm>> -> memref<8x1024xf32, #tpu.memory_space<hbm>>
      %dma_wait3A_140 = tpu.memref_slice %arg8[%select_n3A_131] : memref<4x!tpu.dma_semaphore, #tpu.memory_space<semaphore_mem>> -> memref<1x!tpu.dma_semaphore, #tpu.memory_space<semaphore_mem>>
      %dma_wait3A_141 = tpu.memref_squeeze %dma_wait3A_140 : memref<1x!tpu.dma_semaphore, #tpu.memory_space<semaphore_mem>> -> memref<!tpu.dma_semaphore, #tpu.memory_space<semaphore_mem>>
      %dma_wait3A_142 = arith.constant 0 : i32
      %dma_wait3A_143 = arith.constant 0 : i32
      %dma_wait3A_144 = tpu.memref_slice %arg4[%dma_wait3A, %dma_wait3A_142, %dma_wait3A_143] : memref<50x1000x1024xf32, #tpu.memory_space<hbm>> -> memref<1x8x1024xf32, #tpu.memory_space<hbm>>
      %dma_wait3A_145 = tpu.memref_squeeze %dma_wait3A_144 : memref<1x8x1024xf32, #tpu.memory_space<hbm>> -> memref<8x1024xf32, #tpu.memory_space<hbm>>
      %dma_wait3A_146 = arith.constant 0 : i32
      %dma_wait3A_147 = arith.constant 0 : i32
      %dma_wait3A_148 = tpu.memref_slice %arg7[%select_n3A_115, %dma_wait3A_146, %dma_wait3A_147] : memref<4x8x1024xf32, #tpu.memory_space<vmem>> -> memref<1x8x1024xf32, #tpu.memory_space<vmem>>
      %dma_wait3A_149 = tpu.memref_squeeze %dma_wait3A_148 : memref<1x8x1024xf32, #tpu.memory_space<vmem>> -> memref<8x1024xf32, #tpu.memory_space<vmem>>
      tpu.wait_dma2 semaphore(%dma_wait3A_141 : memref<!tpu.dma_semaphore, #tpu.memory_space<semaphore_mem>>) src(%dma_wait3A_149 : memref<8x1024xf32, #tpu.memory_space<vmem>>) dst(%dma_wait3A_145 : memref<8x1024xf32, #tpu.memory_space<hbm>>)
    } else {
    }
    %scan3A_100 = arith.constant 0 : i32
    %scan3A_101 = arith.constant 4 : i32
    return
  }
}

</mosaic_0001>

<sc_bundles>
// kernel: kernel.3.cloned.1.call-start
scs
__scs_entry_jumppad:
0x0: {  	(pc) =	sbr.rel $0x88, $3  }
0x1: {  	(tag) =	ssettag $0x0;
	lr =	simm.s32 $0x1  }
0x2: {  	[smem:$0x3F9F] =	sst lr;
	_ =	strace $0xD0000000  }
0x3: {  	_ = 	snop  }
0x4: {  	_ = 	snop  }
0x5: {  	_ = 	snop  }
0x6: {  	_ = 	snop  }
0x7: {  	_ = 	snop  }
__scs_overlays_trampoline_lowered:
0x8: {  	[smem:$0x3FAE] =	sst s0  }
0x9: {  	[smem:$0x3FAF] =	sst s1  }
0xa: {  	[smem:$0x3FB0] =	sst s2  }
0xb: {  	[smem:$0x3FB1] =	sst s3  }
0xc: {  	[smem:$0x3FB2] =	sst s4  }
0xd: {  	[smem:$0x3FB3] =	sst s5  }
0xe: {  	[smem:$0x3FB4] =	sst s6  }
0xf: {  	[smem:$0x3FB5] =	sst s7  }
0x10: {  	[smem:$0x3FB6] =	sst s8  }
0x11: {  	[smem:$0x3FB7] =	sst s9;
	s0 =	simm.s32 @!p0 $0x0  }
0x12: {  	s1 =	sld [smem:$0x3F9D];
	s0 =	simm.s32 @p0 $0x1  }
0x13: {  	[smem:$0x3FB8] =	sst s0;
	s0 =	simm.s32 @!p1 $0x0  }
0x14: {  	s2 =	sld [smem:$0x3F9C];
	s0 =	simm.s32 @p1 $0x1  }
0x15: {  	[smem:$0x3FB9] =	sst s0;
	s0 =	simm.s32 @!p2 $0x0  }
0x16: {  	s3 =	sld [smem:$0x3FDB];
	s0 =	simm.s32 @p2 $0x1  }
0x17: {  	s4 =	simm.s32 $0x1BF5;
	[smem:$0x3FBB] =	sst s0  }
0x18: {  	s0 =	sld [smem:$0x3F9E];
	_ =	swait.ge [sflag:s4], $0x0  }
0x19: {  	s7 =	sld [smem:$0x3F9F]  }
0x1a: {  	s8 =	sadd.s32 $0xFFFFE003, lr  }
0x1b: {  	s9 =	sadd.s32 $0xFFFFFEF7, lr;
	s5 =	simm.s32 $0xFFFFFFFF;
	p2 =	slt.u32 s8, $0xFFFFF086  }
0x1c: {  	p1 =	slt.u32 s9, $0xF7A;
	s5 =	simm.s32 @!p2 $0x0  }
0x1d: {  	s5 =	simm.s32 @p1 $0x1;
	p0 =	seq.s32 s7, s2  }
0x1e: {  	s7 =	smul.u32 @!p0 $0xF7A, s2;
	p2 =	seq.s32 @!p0 s5, $0x0  }
0x1f: {  	s9 =	smul.u32 $0xF7A, s1;
	s8 =	simm.s32 @!p0 $0x1BF5;
	p2 =	por !p2, p0  }
0x20: {  	[sflag:s8] =	ssyncset.s32 @!p0 $0xFFFFF086;
	s6 =	sadd.s32 @!p0 s3, s7;
	s7 =	simm.s32 @!p0 $0x108  }
0x21: {  	s3 =	sadd.s32 s3, s9;
	s6 =	sadd.s32 @!p0 $0x88, s6;
	s7 =	simm.s32 @p2 $0x1082  }
0x22: {  	[simem:s7], [sflag:s8] =	dma.local @!p0 [hbm:s6], $0xF7A  }
0x23: {  	s9 =	sor.u32 $0xD0000000, s2;
	s6 =	simm.s32 $0x108;
	_ =	swait.ge @!p0 [sflag:s8], $0x0  }
0x24: {  	s3 =	sadd.s32 $0x88, s3;
	s6 =	simm.s32 @!p1 $0x1082;
	[sflag:s4] =	ssyncset.s32 $0xFFFFF086  }
0x25: {  	[simem:s6], [sflag:s4] =	dma.local [hbm:s3], $0xF7A  }
0x26: {  	[smem:$0x3F9F] =	sst s1;
	(tag) =	ssettag s2;
	_ =	strace s9  }
0x27: {  	s1 =	sld [smem:$0x3FAF]  }
0x28: {  	s2 =	sld [smem:$0x3FB0]  }
0x29: {  	s4 =	sld [smem:$0x3FB2]  }
0x2a: {  	p0 =	seq.s32 s5, $0x0;
	s5 =	sld [smem:$0x3FB3]  }
0x2b: {  	s6 =	sld [smem:$0x3FB4]  }
0x2c: {  	s7 =	sld [smem:$0x3FB5]  }
0x2d: {  	s3 =	simm.s32 $0x108;
	s8 =	sld [smem:$0x3FB6]  }
0x2e: {  	s3 =	simm.s32 @!p0 $0x1082;
	s9 =	sld [smem:$0x3FB7]  }
0x2f: {  	lr =	sadd.s32 s0, s3;
	s0 =	sld [smem:$0x3FAE]  }
0x30: {  	s3 =	sld [smem:$0x3FB1]  }
0x31: {  	[smem:$0x3FBA] =	sst s10  }
0x32: {  	s10 =	sld [smem:$0x3FB8];
	_ =	sdelay $0x3  }
0x33: {  	p0 =	seq.s32 s10, $0x1;
	s10 =	sld [smem:$0x3FBA];
	_ =	sdelay $0x3  }
0x34: {  	[smem:$0x3FBA] =	sst s10  }
0x35: {  	s10 =	sld [smem:$0x3FB9];
	_ =	sdelay $0x3  }
0x36: {  	p1 =	seq.s32 s10, $0x1;
	s10 =	sld [smem:$0x3FBA];
	_ =	sdelay $0x3  }
0x37: {  	[smem:$0x3FBA] =	sst s10  }
0x38: {  	s10 =	sld [smem:$0x3FBB]  }
0x39: {  	_ = 	snop;
	(pc) =	sbr.ind lr, $3  }
0x3a: {  	_ = 	snop  }
0x3b: {  	_ = 	snop  }
0x3c: {  	p2 =	seq.s32 s10, $0x1;
	s10 =	sld [smem:$0x3FBA]  }
0x3d: {  	_ =	shalt  }
0x3e: {  	_ =	shalt  }
0x3f: {  	_ =	shalt  }
0x40: {  	_ =	shalt  }
0x41: {  	_ =	shalt  }
0x42: {  	_ =	shalt  }
0x43: {  	_ =	shalt  }
0x44: {  	_ =	shalt  }
0x45: {  	_ =	shalt  }
0x46: {  	_ =	shalt  }
0x47: {  	_ =	shalt  }
0x48: {  	_ =	shalt  }
0x49: {  	_ =	shalt  }
0x4a: {  	_ =	shalt  }
0x4b: {  	_ =	shalt  }
0x4c: {  	_ =	shalt  }
0x4d: {  	_ =	shalt  }
0x4e: {  	_ =	shalt  }
0x4f: {  	_ =	shalt  }
0x50: {  	_ =	shalt  }
0x51: {  	_ =	shalt  }
0x52: {  	_ =	shalt  }
0x53: {  	_ =	shalt  }
0x54: {  	_ =	shalt  }
0x55: {  	_ =	shalt  }
0x56: {  	_ =	shalt  }
0x57: {  	_ =	shalt  }
0x58: {  	_ =	shalt  }
0x59: {  	_ =	shalt  }
0x5a: {  	_ =	shalt  }
0x5b: {  	_ =	shalt  }
0x5c: {  	_ =	shalt  }
0x5d: {  	_ =	shalt  }
0x5e: {  	_ =	shalt  }
0x5f: {  	_ =	shalt  }
0x60: {  	_ =	shalt  }
0x61: {  	_ =	shalt  }
0x62: {  	_ =	shalt  }
0x63: {  	_ =	shalt  }
0x64: {  	_ =	shalt  }
0x65: {  	_ =	shalt  }
0x66: {  	_ =	shalt  }
0x67: {  	_ =	shalt  }
0x68: {  	_ =	shalt  }
0x69: {  	_ =	shalt  }
0x6a: {  	_ =	shalt  }
0x6b: {  	_ =	shalt  }
0x6c: {  	_ =	shalt  }
0x6d: {  	_ =	shalt  }
0x6e: {  	_ =	shalt  }
0x6f: {  	_ =	shalt  }
0x70: {  	_ =	shalt  }
0x71: {  	_ =	shalt  }
0x72: {  	_ =	shalt  }
0x73: {  	_ =	shalt  }
0x74: {  	_ =	shalt  }
0x75: {  	_ =	shalt  }
0x76: {  	_ =	shalt  }
0x77: {  	_ =	shalt  }
0x78: {  	_ =	shalt  }
0x79: {  	_ =	shalt  }
0x7a: {  	_ =	shalt  }
0x7b: {  	_ =	shalt  }
0x7c: {  	_ =	shalt  }
0x7d: {  	_ =	shalt  }
0x7e: {  	_ =	shalt  }
0x7f: {  	_ =	shalt  }
0x80: {  	_ =	shalt  }
0x81: {  	_ =	shalt  }
0x82: {  	_ =	shalt  }
0x83: {  	_ =	shalt  }
0x84: {  	_ =	shalt  }
0x85: {  	_ =	shalt  }
0x86: {  	_ =	shalt  }
0x87: {  	_ =	shalt  }
.Lfunc_end0:
.L_simem_size_0:
called_computation_lowered:
.L_overlay_start_0:
0x88: {  	s2 =	sld [smem:$0x3FD9]  }
0x89: {  	s3 =	sld [smem:$0x3FFE];
	_ =	sdelay $0x1  }
0x8a: {  	s1 =	srdreg.scid  }
0x8b: {  	s0 =	sand.u32 $0x1, s1  }
0x8c: {  	s17 =	sshll.u32 s0, $0xA;
	s2 =	sadd.s32 s3, s2  }
0x8d: {  	s2 =	sadd.s32 s2, s17  }
0x8e: {  	[smem:$0x3FC6] =	sst s2  }
0x8f: {  	_ = 	snop  }
0x90: {  	s2 =	sld [smem:$0x3FC9]  }
0x91: {  	s18 =	sld [smem:$0x3FD0];
	(tm) =	ssettm $0x1  }
0x92: {  	s4 =	sld [smem:$0x3FFB];
	_ =	sdelay $0x3  }
0x93: {  	_ =	strace s4  }
0x94: {  	s4 =	sld [smem:$0x3FFC];
	_ =	sdelay $0x3  }
0x95: {  	_ =	strace s4  }
0x96: {  	s4 =	sld [smem:$0x3FFD];
	_ =	sdelay $0x3  }
0x97: {  	_ =	strace s4  }
0x98: {  	_ =	strace $0x8FFFFFFF  }
0x99: {  	s19 =	sld [smem:$0x3FDB];
	_ =	sdelay $0x1  }
0x9a: {  	s5 =	simm.s32 $_scs_section_size  }
0x9b: {  	s6 =	simm.s32 $_size__tile_overlayer_lowered;
	s7 =	simm.s32 $_tile_overlayer_lowered  }
0x9c: {  	s22 =	simm.s32 $0x1BFF;
	s21 =	sshll.u32 s7, $0x1;
	s4 =	sadd.s32 s5, s19  }
0x9d: {  	s8 =	simm.s32 $0x0;
	s20 =	sshll.u32 s6, $0x1;
	s6 =	sadd.s32 s21, s4  }
0x9e: {  	[timem:s8], [sflag:s22] =	dma.local [hbm:s6], s20  }
0x9f: {  	_ =	swait.ge [sflag:s22], s20  }
0xa0: {  	s5 =	ssub.s32 $0x0, s20;
	[sflag:s22] =	ssyncset.done $0x0  }
0xa1: {  	[sflag:s22] =	ssyncadd.s32 s5;
	_ =	sdelay $0x1  }
0xa2: {  	s23 =	simm.s32 $0x1B8B  }
0xa3: {  	_ =	swait.ge [sflag:s23], $0x1  }
0xa4: {  	[sflag:s23] =	ssyncset.done $0x0  }
0xa5: {  	s25 =	simm.s32 $0x1B8E;
	s24 =	sld [smem:$0x3FFE];
	[sflag:s23] =	ssyncadd.s32 $0xFFFFFFFF  }
0xa6: {  	s26 =	simm.s32 $execute0_lowered;
	[smem:$0x3FD2] =	sst s25  }
0xa7: {  	s6 =	sshll.u32 s26, $0x1;
	_ =	strace $0x80000046;
	[dreg:$0x1] =	wrdreg $0xFFFFFFFF  }
0xa8: {  	s28 =	simm.s32 $_size_execute0_lowered;
	s4 =	sadd.s32 s4, s6;
	[dreg:$0x0] =	wrdreg $0x0  }
0xa9: {  	s6 =	sshll.u32 s28, $0x1;
	[dreg:$0x2] =	wrdreg s4  }
0xaa: {  	[dreg:$0x3] =	wrdreg s6  }
0xab: {  	[dreg:$0x4] =	wrdreg $0xC0  }
0xac: {  	_ =	task [dreg:s8], $0x5FFFF  }
0xad: {  	[dreg:$0x1] =	wrdreg $0xFFFFFFFF  }
0xae: {  	[dreg:$0x0] =	wrdreg $0x60  }
0xaf: {  	[dreg:$0x2] =	wrdreg s2  }
0xb0: {  	[dreg:$0x3] =	wrdreg s24  }
0xb1: {  	[dreg:$0x4] =	wrdreg s18  }
0xb2: {  	[dreg:$0x5] =	wrdreg $0x9  }
0xb3: {  	_ =	task.clear_ibuf [dreg:s8], $0x6FFFF;
	_ =	strace $0x90000046  }
0xb4: {  	s29 =	simm.s32 $0x9;
	_ =	strace $0x80000048  }
0xb5: {  	_ =	swait.ge [sflag:s29], $0x1  }
0xb6: {  	[sflag:s29] =	ssyncadd.s32 $0xFFFFFFFF  }
0xb7: {  	_ =	strace $0x90000048  }
0xb8: {  	_ =	sfence  }
0xb9: {  	s30 =	sld [smem:$0x0];
	_ =	sdelay $0x2  }
0xba: {  	s31 =	sshll.u32 s1, $0xD;
	s1 =	sshrl.u32 s1, $0x2  }
0xbb: {  	s3 =	sand.u32 $0x4000, s31;
	s1 =	sadd.s32 s1, s30  }
0xbc: {  	s0 =	sor.u32 s3, s0;
	s1 =	sshll.u32 s1, $0x11  }
0xbd: {  	s0 =	sor.u32 s1, s0  }
0xbe: {  	s0 =	sadd.s32 $0x8F2B, s0  }
0xbf: {  	[sflag:s0] =	ssyncadd.remote.s32 $0x1  }
0xc0: {  	_ =	sfence.sel $0xFFFF  }
0xc1: {  	[dreg:$0x0] =	wrdreg $0xFFFFFFFF;
	(pc) =	sbr.abs _section_cstart, $3  }
0xc2: {  	[dreg:$0x1] =	wrdreg $0xFFFFFFFF  }
0xc3: {  	_ =	task.clear_ibuf [dreg:s8], $0x2FFFF;
	_ =	strace $0x9FFFFFFF  }
0xc4: {  	(tm) =	ssettm $0x7FFFFFFF  }
0xc5: {  	_ =	shalt  }
tec
execute0_lowered:
.L_overlay_start_1:
0x0: {  	(tag) =	ssettag $0x1  }
0x1: {  	s0 =	srdreg.scid;
	s3 =	stileid.u32  }
0x2: {  	s0 =	sand.u32 $0x1, s0;
	s1 =	sshll.u32 s3, $0x1;
	s6 =	smul.u32 $0xFA, s3  }
0x3: {  	s4 =	simm.s32 $0x0;
	s1 =	sor.u32 s0, s1;
	s7 =	smul.u32 $0x7D, s0  }
0x4: {  	[smem:$0x7FF] =	sst s4;
	s0 =	ssub.s32 $0x2, s0;
	s1 =	smul.u32 $0x7D, s1  }
0x5: {  	s2 =	rddreg [dreg:$0x1];
	_ =	strace $0x80000047;
	s24 =	sshrl.u32 s0, $0x1  }
0x6: {  	s7 =	sadd.s32 s7, s6;
	s0 =	ssub.s32 s0, s24;
	s5 =	sshll.u32 s1, $0x5  }
0x7: {  	s8 =	sadd.s32 $0x7D, s1;
	s23 =	sadd.s32 $0x7D, s7;
	s7 =	sshrl.u32 s7, $0x5  }
0x8: {  	s5 =	sand.u32 $0x1FC00, s5;
	s22 =	sshrl.u32 s8, $0x5;
	s7 =	smul.u32 $0xFFFFFFCE, s7  }
0x9: {  	s2 =	sadd.s32 s5, s2;
	s5 =	sshrl.u32 s1, $0x5;
	s1 =	sshrl.u32 s23, $0x5  }
0xa: {  	s0 =	smax.u32 s0, $0x1;
	s6 =	ssub.s32 s22, s5;
	s1 =	smul.u32 $0x32, s1  }
0xb: {  	[dreg:$0x9] =	wrdreg s0;
	s2 =	sadd.s32 $0x400, s2;
	s9 =	smul.u32 $0x32, s6  }
0xc: {  	s15 =	simm.s32 $0xE000;
	[dreg:$0x4] =	wrdreg s2  }
0xd: {  	s10 =	sadd.s32 s1, s7;
	s1 =	simm.s32 $0x0;
	s25 =	sand.u32 $0x2, s9  }
.Ltmp0:
0xe: {  	s29 =	sadd.s32 $0xFFFFFFFF, s9;
	s26 =	sor.u32 $0x1, s25;
	(pc) =	sbr.rel .LBB2_1-.Ltmp0, $4  }
0xf: {  	s28 =	sadd.s32 $0x2, s25;
	s2 =	sxor.u32 $0x2, s25;
	[dreg:$0x5] =	wrdreg s26  }
0x10: {  	s8 =	sand.u32 $0x3, s29;
	[dreg:$0x6] =	wrdreg s28;
	s30 =	sor.u32 $0x1, s2  }
0x11: {  	v0 =	vimm.s32 $0x0;
	vm0 =	vcmask $0x300;
	p0 =	sgt.s32 s10, $0x1;
	s31 =	sadd.s32 $0x1, s8;
	[dreg:$0x7] =	wrdreg s30  }
0x12: {  	v0 =	vsel vm0, $0xD, v0;
	s10 =	simm.s32 @!p0 $0x1;
	p0 =	slt.s32 s6, $0x1;
	[dreg:$0x8] =	wrdreg s31  }
.LBB2_6:
0x13: {  	s1 =	rddreg [dreg:$0xa]  }
0x14: {  	s0 =	rddreg [dreg:$0x9];
	s1 =	sadd.s32 $0x1, s1  }
0x15: {  	p1 =	sne.s32 s1, s0  }
.Ltmp1:
0x16: {  	_ = 	snop;
	(pc) =	sbr.rel @!p1 .LBB2_7-.Ltmp1, $1  }
0x17: {  	_ =	sdelay $0x3  }
.LBB2_1:
0x18: {  	[dreg:$0xa] =	wrdreg s1  }
0x19: {  	s0 =	rddreg [dreg:$0x0];
	s30 =	simm.s32 $0x5  }
0x1a: {  	[tilespmem:s4], [sflag:$0x5] =	stream.linear.gather [hbm4b:s0+s4], $0xE000, $0x38;
	[tilespmem:$0x1E000] =	vst v63  }
0x1b: {  	_ =	swait.ge [sflag:s30], $0xE000  }
0x1c: {  	[sflag:s30] =	ssyncset.done $0x0  }
.Ltmp2:
0x1d: {  	s31 =	rddreg [dreg:$0x4];
	[sflag:s30] =	ssyncadd.s32 $0xFFFF2000;
	(pc) =	sbr.rel @p0 .LBB2_6-.Ltmp2, $4  }
0x1e: {  	[tilespmem:s15], [sflag:$0x5] =	stream.linear.gather [hbm4b:s31+s4], $0x8000, $0x38;
	[tilespmem:$0x1E000] =	vst v63  }
0x1f: {  	_ =	swait.ge [sflag:s30], $0x8000  }
0x20: {  	s17 =	simm.s32 $0x0;
	[sflag:s30] =	ssyncset.done $0x0  }
0x21: {  	s18 =	simm.s32 $0x0;
	s19 =	simm.s32 $0x0;
	[sflag:s30] =	ssyncadd.s32 $0xFFFF8000  }
.LBB2_2:
0x22: {  	s20 =	sand.u32 $0x3, s19;
	p1 =	slt.u32 s19, $0x4  }
0x23: {  	s1 =	sshll.u32 s18, $0xA;
	s2 =	sshll.u32 s18, $0x7;
	s7 =	simm.s32 $0x0  }
0x24: {  	s8 =	simm.s32 $0x0;
	s14 =	sshll.u32 s17, $0x3;
	s0 =	sadd.s32 @!p1 $0x1, s20  }
0x25: {  	s1 =	sand.u32 $0xFFFFE000, s1;
	s2 =	sand.u32 $0x380, s2;
	s7 =	sand.u32 $0x1C00, s7  }
0x26: {  	s9 =	sand.u32 $0x40, s8;
	_ =	swait.ge @!p1 [sflag:s0], $0x2000;
	s22 =	sor.u32 s2, s1  }
0x27: {  	s11 =	sor.u32 $0x20, s9;
	[sflag:s0] =	ssyncset.done @!p1 $0x0;
	s2 =	sadd.s32 s7, s22  }
0x28: {  	v2 =	vmov s14;
	s16 =	sor.u32 $0x10, s9;
	[sflag:s0] =	ssyncadd.s32 @!p1 $0xFFFFE000;
	s13 =	sadd.s32 s11, s2  }
0x29: {  	v2 =	vshrl.u32 v2, $0x3;
	s21 =	sadd.s32 s16, s2;
	v1 =	vld [tilespmem:s13+$0x0]  }
0x2a: {  	v9 =	vshll.u32 v2, v0;
	v2 =	vld [tilespmem:s21+$0x0];
	_ =	sdelay $0x3  }
0x2b: {  	s12 =	sor.u32 $0x30, s9;
	v4 =	vbroadcast v9, $0x0;
	v3 =	vshll.u32 v1, $0x3  }
0x2c: {  	s23 =	sadd.s32 s12, s2;
	v7 =	vor.u32 $0x80, v9;
	v6 =	vshll.u32 v2, $0x3;
	v10 =	vand.u32 $0xFFFFFC00, v3  }
0x2d: {  	s2 =	sadd.s32 s9, s2;
	v14 =	vand.u32 $0x7F, v1;
	v3 =	vld [tilespmem:s23+$0x0];
	v16 =	vand.u32 $0xFFFFFC00, v6;
	v1 =	vadd.s32 v4, v10  }
0x2e: {  	s25 =	simm.s32 $0x200;
	s26 =	simm.s32 $0x40;
	s24 =	sshll.u32 s20, $0xD;
	v5 =	vld [tilespmem:s2+$0x0];
	v17 =	vand.u32 $0x7F, v2;
	v2 =	vadd.s32 v4, v16;
	v1 =	vor.u32 v14, v1  }
0x2f: {  	s14 =	sand.u32 $0x40, s26;
	s1 =	sand.u32 $0x1C00, s25;
	s21 =	sadd.s32 $0x16000, s24;
	v6 =	vbroadcast v7, $0x0;
	v2 =	vor.u32 v17, v2  }
0x30: {  	s24 =	sadd.s32 s1, s22;
	s23 =	sadd.s32 s7, s21;
	s7 =	sor.u32 $0x20, s14  }
0x31: {  	s13 =	sadd.s32 s7, s24;
	v11 =	vadd.s32 v6, v10  }
0x32: {  	v7 =	vor.u32 $0x100, v9;
	v25 =	vld [tilespmem:s13+$0x0];
	v11 =	vor.u32 v14, v11;
	v8 =	vshll.u32 v3, $0x3  }
0x33: {  	v19 =	vand.u32 $0x7F, v3;
	v21 =	vand.u32 $0xFFFFFC00, v8;
	v8 =	vshll.u32 v5, $0x3;
	v1 =	vld.idx.msk [tilespmem:v1+s15+$0x0], $0xffff  }
0x34: {  	v12 =	vadd.s32 v4, v21;
	v23 =	vand.u32 $0xFFFFFC00, v8;
	v8 =	vbroadcast v7, $0x0;
	v18 =	vld.idx.msk [tilespmem:v2+s15+$0x0], $0xffff  }
0x35: {  	v15 =	vand.u32 $0x7F, v5;
	v5 =	vadd.s32 v6, v16;
	v12 =	vor.u32 v19, v12  }
0x36: {  	v20 =	vor.u32 v17, v5;
	v3 =	vadd.s32 v4, v23;
	v2 =	vadd.s32 v8, v10  }
0x37: {  	s2 =	sadd.s32 s11, s23;
	v13 =	vor.u32 v15, v3;
	v22 =	vor.u32 v14, v2;
	v2 =	vor.u32 $0x300, v9  }
0x38: {  	s0 =	sadd.s32 s16, s23;
	v2 =	vbroadcast v2, $0x0;
	[tilespmem:s2+$0x0] =	vst v1;
	v1 =	vor.u32 $0x180, v9  }
0x39: {  	v35 =	vand.u32 $0x7F, v25;
	[tilespmem:s0+$0x0] =	vst v18;
	v18 =	vadd.s32 v6, v23;
	v11 =	vld.idx.msk [tilespmem:v11+s15+$0x0], $0xffff;
	v7 =	vbroadcast v1, $0x0  }
0x3a: {  	v1 =	vor.u32 $0x200, v9;
	v12 =	vld.idx.msk [tilespmem:v12+s15+$0x0], $0xffff;
	v18 =	vor.u32 v15, v18;
	v48 =	vadd.s32 v2, v21  }
0x3b: {  	v20 =	vld.idx.msk [tilespmem:v20+s15+$0x0], $0xffff;
	v5 =	vbroadcast v1, $0x0;
	v1 =	vor.u32 $0x280, v9;
	v48 =	vor.u32 v19, v48  }
0x3c: {  	s11 =	sor.u32 $0x30, s14;
	v3 =	vbroadcast v1, $0x0;
	v1 =	vor.u32 $0x380, v9;
	v9 =	vld.idx.msk [tilespmem:v13+s15+$0x0], $0xffff;
	v13 =	vadd.s32 v8, v16  }
0x3d: {  	s16 =	sor.u32 $0x10, s14;
	s25 =	sadd.s32 s11, s24;
	v24 =	vadd.s32 v7, v10;
	v57 =	vadd.s32 v7, v21;
	v13 =	vor.u32 v17, v13  }
0x3e: {  	s26 =	sadd.s32 s16, s24;
	v29 =	vld [tilespmem:s25+$0x0];
	v26 =	vor.u32 v14, v24;
	v24 =	vadd.s32 v5, v10;
	[tilespmem:s2+$0x80] =	vst v11;
	v11 =	vadd.s32 v7, v16  }
0x3f: {  	v31 =	vld [tilespmem:s26+$0x0];
	v30 =	vadd.s32 v5, v16;
	v27 =	vor.u32 v17, v11;
	v11 =	vadd.s32 v6, v21  }
0x40: {  	s28 =	sadd.s32 s12, s23;
	v1 =	vbroadcast v1, $0x0;
	v28 =	vor.u32 v14, v24;
	[tilespmem:s0+$0x80] =	vst v20;
	v22 =	vld.idx.msk [tilespmem:v22+s15+$0x0], $0xffff;
	v11 =	vor.u32 v19, v11  }
0x41: {  	s3 =	sadd.s32 s14, s24;
	s25 =	sadd.s32 s9, s23;
	v24 =	vadd.s32 v3, v10;
	v30 =	vor.u32 v17, v30;
	v45 =	vadd.s32 v3, v23;
	[tilespmem:s28+$0x0] =	vst v12  }
0x42: {  	v32 =	vor.u32 v14, v24;
	v24 =	vadd.s32 v2, v10;
	v12 =	vld [tilespmem:s3+$0x0];
	[tilespmem:s25+$0x0] =	vst v9;
	v9 =	vadd.s32 v3, v16  }
0x43: {  	s30 =	simm.s32 $0x80;
	s8 =	sadd.s32 s1, s21;
	v33 =	vor.u32 v14, v24;
	v18 =	vld.idx.msk [tilespmem:v18+s15+$0x0], $0xffff;
	v24 =	vor.u32 v17, v9;
	v9 =	vadd.s32 v8, v23  }
0x44: {  	s29 =	sadd.s32 s7, s8;
	s12 =	simm.s32 $0x400;
	s7 =	sand.u32 $0x40, s30;
	v20 =	vadd.s32 v1, v10;
	v13 =	vld.idx.msk [tilespmem:v13+s15+$0x0], $0xffff;
	v34 =	vor.u32 v15, v9;
	v9 =	vadd.s32 v8, v21  }
0x45: {  	s24 =	sadd.s32 s16, s8;
	s1 =	sand.u32 $0x1C00, s12;
	s23 =	sadd.s32 s11, s8;
	v10 =	vshll.u32 v31, $0x3;
	v37 =	vor.u32 v19, v9;
	v9 =	vshll.u32 v29, $0x3;
	[tilespmem:s2+$0x100] =	vst v22;
	v36 =	vld.idx.msk [tilespmem:v11+s15+$0x0], $0xffff  }
0x46: {  	s26 =	sadd.s32 s14, s8;
	s13 =	sadd.s32 s1, s22;
	s8 =	sor.u32 $0x20, s7;
	v38 =	vand.u32 $0xFFFFFC00, v10;
	v22 =	vshll.u32 v25, $0x3;
	v9 =	vand.u32 $0xFFFFFC00, v9;
	v25 =	vld.idx.msk [tilespmem:v26+s15+$0x0], $0xffff  }
0x47: {  	s14 =	sadd.s32 s8, s13;
	v10 =	vadd.s32 v4, v38;
	v11 =	vand.u32 $0x7F, v31;
	v26 =	vadd.s32 v4, v9  }
0x48: {  	v60 =	vld [tilespmem:s14+$0x0];
	v22 =	vand.u32 $0xFFFFFC00, v22;
	[tilespmem:s25+$0x80] =	vst v18;
	v18 =	vor.u32 v11, v10;
	v10 =	vand.u32 $0x7F, v29  }
0x49: {  	[tilespmem:s0+$0x100] =	vst v13;
	v31 =	vadd.s32 v4, v22;
	v29 =	vld.idx.msk [tilespmem:v34+s15+$0x0], $0xffff;
	v52 =	vor.u32 v10, v26  }
0x4a: {  	v26 =	vadd.s32 v7, v23;
	v27 =	vld.idx.msk [tilespmem:v27+s15+$0x0], $0xffff;
	v31 =	vor.u32 v35, v31;
	[tilespmem:s28+$0x80] =	vst v36  }
0x4b: {  	v62 =	vadd.s32 v1, v21;
	v13 =	vshll.u32 v12, $0x3;
	v53 =	vor.u32 v15, v26;
	[tilespmem:s2+$0x180] =	vst v25;
	v37 =	vld.idx.msk [tilespmem:v37+s15+$0x0], $0xffff  }
0x4c: {  	v56 =	vadd.s32 v8, v38;
	v13 =	vand.u32 $0xFFFFFC00, v13;
	v26 =	vor.u32 v14, v20;
	v14 =	vld.idx.msk [tilespmem:v28+s15+$0x0], $0xffff  }
0x4d: {  	v12 =	vand.u32 $0x7F, v12;
	v54 =	vadd.s32 v6, v22;
	v39 =	vadd.s32 v4, v13;
	v18 =	vld.idx.msk [tilespmem:v18+s15+$0x0], $0xffff  }
0x4e: {  	v40 =	vadd.s32 v8, v22;
	v20 =	vor.u32 v12, v39;
	v39 =	vadd.s32 v1, v16;
	v28 =	vld.idx.msk [tilespmem:v52+s15+$0x0], $0xffff  }
0x4f: {  	v25 =	vadd.s32 v2, v16;
	v16 =	vadd.s32 v6, v38;
	[tilespmem:s25+$0x100] =	vst v29;
	v31 =	vld.idx.msk [tilespmem:v31+s15+$0x0], $0xffff  }
0x50: {  	s3 =	sor.u32 $0x10, s7;
	v16 =	vor.u32 v11, v16;
	v29 =	vadd.s32 v6, v9;
	[tilespmem:s0+$0x180] =	vst v27;
	v36 =	vld.idx.msk [tilespmem:v53+s15+$0x0], $0xffff  }
0x51: {  	s12 =	sadd.s32 s3, s13;
	v41 =	vadd.s32 v7, v22;
	v55 =	vor.u32 v35, v40;
	v29 =	vor.u32 v10, v29;
	v43 =	vld.idx.msk [tilespmem:v30+s15+$0x0], $0xffff  }
0x52: {  	v40 =	vor.u32 v11, v56;
	v41 =	vor.u32 v35, v41;
	v27 =	vor.u32 v35, v54;
	v53 =	vld [tilespmem:s12+$0x0];
	[tilespmem:s2+$0x200] =	vst v14  }
0x53: {  	v47 =	vadd.s32 v8, v13;
	v20 =	vld.idx.msk [tilespmem:v20+s15+$0x0], $0xffff;
	v14 =	vadd.s32 v6, v13;
	[tilespmem:s24+$0x0] =	vst v18  }
0x54: {  	v56 =	vadd.s32 v7, v13;
	[tilespmem:s28+$0x100] =	vst v37;
	v18 =	vld.idx.msk [tilespmem:v32+s15+$0x0], $0xffff;
	v14 =	vor.u32 v12, v14  }
0x55: {  	v16 =	vld.idx.msk [tilespmem:v16+s15+$0x0], $0xffff;
	[tilespmem:s23+$0x0] =	vst v28;
	v28 =	vadd.s32 v5, v23;
	v32 =	vor.u32 v19, v57  }
0x56: {  	v61 =	vor.u32 v12, v47;
	[tilespmem:s29+$0x0] =	vst v31;
	v29 =	vld.idx.msk [tilespmem:v29+s15+$0x0], $0xffff;
	v31 =	vor.u32 v15, v28  }
0x57: {  	v49 =	vor.u32 v17, v39;
	v25 =	vor.u32 v17, v25;
	v27 =	vld.idx.msk [tilespmem:v27+s15+$0x0], $0xffff;
	[tilespmem:s0+$0x200] =	vst v43  }
0x58: {  	v17 =	vadd.s32 v8, v9;
	v52 =	vadd.s32 v1, v23;
	[tilespmem:s26+$0x0] =	vst v20;
	v24 =	vld.idx.msk [tilespmem:v24+s15+$0x0], $0xffff  }
0x59: {  	v47 =	vor.u32 v15, v52;
	v28 =	vadd.s32 v7, v38;
	[tilespmem:s25+$0x180] =	vst v36;
	v58 =	vld.idx.msk [tilespmem:v14+s15+$0x0], $0xffff  }
0x5a: {  	v42 =	vor.u32 v11, v28;
	v28 =	vadd.s32 v5, v22;
	v32 =	vld.idx.msk [tilespmem:v32+s15+$0x0], $0xffff;
	[tilespmem:s2+$0x280] =	vst v18  }
0x5b: {  	v20 =	vadd.s32 v3, v22;
	[tilespmem:s24+$0x80] =	vst v16;
	v16 =	vadd.s32 v5, v21;
	v31 =	vld.idx.msk [tilespmem:v31+s15+$0x0], $0xffff  }
0x5c: {  	s9 =	sor.u32 $0x30, s7;
	v44 =	vor.u32 v35, v28;
	v14 =	vadd.s32 v5, v38;
	v33 =	vld.idx.msk [tilespmem:v33+s15+$0x0], $0xffff;
	v46 =	vor.u32 v19, v16  }
0x5d: {  	s14 =	sadd.s32 s9, s13;
	v28 =	vor.u32 v35, v20;
	v30 =	vor.u32 v11, v14;
	v14 =	vadd.s32 v2, v22;
	v59 =	vld.idx.msk [tilespmem:v40+s15+$0x0], $0xffff  }
0x5e: {  	v63 =	vld [tilespmem:s14+$0x0];
	[tilespmem:s29+$0x80] =	vst v27;
	v27 =	vor.u32 v15, v45;
	v20 =	vor.u32 v35, v14;
	v14 =	vadd.s32 v3, v38  }
0x5f: {  	s16 =	sadd.s32 s7, s13;
	[tilespmem:s23+$0x80] =	vst v29;
	v34 =	vld.idx.msk [tilespmem:v55+s15+$0x0], $0xffff;
	v18 =	vor.u32 v11, v14;
	v14 =	vadd.s32 v1, v22  }
0x60: {  	v21 =	vadd.s32 v3, v21;
	v55 =	vor.u32 v10, v17;
	v16 =	vor.u32 v35, v14;
	v35 =	vld [tilespmem:s16+$0x0];
	[tilespmem:s28+$0x180] =	vst v32  }
0x61: {  	v57 =	vor.u32 v19, v21;
	v22 =	vadd.s32 v2, v38;
	[tilespmem:s26+$0x80] =	vst v58;
	v54 =	vld.idx.msk [tilespmem:v46+s15+$0x0], $0xffff  }
0x62: {  	v21 =	vshll.u32 v53, $0x3;
	v14 =	vor.u32 v11, v22;
	v22 =	vadd.s32 v1, v38;
	[tilespmem:s25+$0x200] =	vst v31;
	v38 =	vld.idx.msk [tilespmem:v61+s15+$0x0], $0xffff  }
0x63: {  	v37 =	vand.u32 $0x7F, v60;
	v17 =	vadd.s32 v2, v23;
	v50 =	vand.u32 $0xFFFFFC00, v21;
	[tilespmem:s24+$0x100] =	vst v59;
	v27 =	vld.idx.msk [tilespmem:v27+s15+$0x0], $0xffff  }
0x64: {  	v23 =	vshll.u32 v60, $0x3;
	[tilespmem:s0+$0x280] =	vst v24;
	v21 =	vadd.s32 v4, v50;
	v29 =	vadd.s32 v6, v50;
	v42 =	vld.idx.msk [tilespmem:v42+s15+$0x0], $0xffff  }
0x65: {  	v58 =	vor.u32 v12, v56;
	v59 =	vor.u32 v15, v17;
	v17 =	vand.u32 $0x7F, v53;
	[tilespmem:s2+$0x300] =	vst v33;
	v33 =	vld.idx.msk [tilespmem:v55+s15+$0x0], $0xffff  }
0x66: {  	v31 =	vor.u32 v19, v62;
	v46 =	vand.u32 $0xFFFFFC00, v23;
	[tilespmem:s29+$0x100] =	vst v34;
	v61 =	vor.u32 v17, v21;
	v26 =	vld.idx.msk [tilespmem:v26+s15+$0x0], $0xffff  }
0x67: {  	v19 =	vshll.u32 v63, $0x3;
	v23 =	vadd.s32 v4, v46;
	v24 =	vadd.s32 v8, v46;
	v34 =	vld.idx.msk [tilespmem:v41+s15+$0x0], $0xffff;
	[tilespmem:s28+$0x200] =	vst v54  }
0x68: {  	v15 =	vand.u32 $0xFFFFFC00, v19;
	v62 =	vor.u32 v37, v23;
	v32 =	vor.u32 v37, v24;
	v24 =	vld.idx.msk [tilespmem:v25+s15+$0x0], $0xffff;
	[tilespmem:s26+$0x100] =	vst v38  }
0x69: {  	v21 =	vand.u32 $0x7F, v63;
	v60 =	vadd.s32 v4, v15;
	v41 =	vor.u32 v17, v29;
	[tilespmem:s25+$0x280] =	vst v27;
	v29 =	vld.idx.msk [tilespmem:v57+s15+$0x0], $0xffff  }
0x6a: {  	v19 =	vshll.u32 v35, $0x3;
	v63 =	vor.u32 v21, v60;
	v36 =	vld.idx.msk [tilespmem:v58+s15+$0x0], $0xffff;
	[tilespmem:s24+$0x180] =	vst v42  }
0x6b: {  	v53 =	vadd.s32 v7, v46;
	v23 =	vadd.s32 v6, v46;
	v19 =	vand.u32 $0xFFFFFC00, v19;
	v56 =	vld.idx.msk [tilespmem:v61+s15+$0x0], $0xffff;
	[tilespmem:s2+$0x380] =	vst v26  }
0x6c: {  	v51 =	vor.u32 v37, v23;
	v23 =	vand.u32 $0x7F, v35;
	v27 =	vadd.s32 v4, v19;
	[tilespmem:s23+$0x100] =	vst v33;
	v40 =	vld.idx.msk [tilespmem:v59+s15+$0x0], $0xffff  }
0x6d: {  	v25 =	vadd.s32 v8, v50;
	[tilespmem:s29+$0x180] =	vst v34;
	v55 =	vor.u32 v23, v27;
	v38 =	vld.idx.msk [tilespmem:v62+s15+$0x0], $0xffff  }
0x6e: {  	v35 =	vor.u32 v17, v25;
	v25 =	vadd.s32 v7, v50;
	[tilespmem:s0+$0x300] =	vst v24;
	v54 =	vld.idx.msk [tilespmem:v44+s15+$0x0], $0xffff  }
0x6f: {  	s16 =	sadd.s32 s1, s21;
	v57 =	vadd.s32 v3, v46;
	v61 =	vadd.s32 v2, v46;
	v43 =	vld.idx.msk [tilespmem:v63+s15+$0x0], $0xffff;
	[tilespmem:s28+$0x280] =	vst v29  }
0x70: {  	s31 =	sadd.s32 s3, s16;
	v49 =	vld.idx.msk [tilespmem:v49+s15+$0x0], $0xffff;
	v29 =	vor.u32 v17, v25;
	v25 =	vadd.s32 v5, v46;
	[tilespmem:s26+$0x180] =	vst v36  }
0x71: {  	[tilespmem:s31+$0x0] =	vst v56;
	v26 =	vor.u32 v37, v25;
	v25 =	vadd.s32 v6, v15;
	v59 =	vld.idx.msk [tilespmem:v48+s15+$0x0], $0xffff  }
0x72: {  	v27 =	vor.u32 v37, v53;
	[tilespmem:s25+$0x300] =	vst v40;
	v60 =	vld.idx.msk [tilespmem:v55+s15+$0x0], $0xffff;
	v58 =	vor.u32 v21, v25  }
0x73: {  	s2 =	sadd.s32 s8, s16;
	v24 =	vor.u32 v37, v57;
	v34 =	vor.u32 v37, v61;
	v42 =	vld.idx.msk [tilespmem:v41+s15+$0x0], $0xffff;
	[tilespmem:s29+$0x200] =	vst v54  }
0x74: {  	s1 =	sadd.s32 s9, s16;
	v63 =	vadd.s32 v5, v13;
	[tilespmem:s2+$0x0] =	vst v38;
	v62 =	vld.idx.msk [tilespmem:v28+s15+$0x0], $0xffff;
	v28 =	vadd.s32 v6, v19  }
0x75: {  	v39 =	vld.idx.msk [tilespmem:v47+s15+$0x0], $0xffff;
	[tilespmem:s1+$0x0] =	vst v43;
	v52 =	vor.u32 v23, v28;
	v28 =	vadd.s32 v7, v9  }
0x76: {  	v44 =	vor.u32 v12, v63;
	v41 =	vld.idx.msk [tilespmem:v51+s15+$0x0], $0xffff;
	[tilespmem:s0+$0x380] =	vst v49;
	v45 =	vor.u32 v10, v28  }
0x77: {  	v25 =	vadd.s32 v5, v50;
	v28 =	vadd.s32 v3, v50;
	[tilespmem:s28+$0x300] =	vst v59;
	v36 =	vld.idx.msk [tilespmem:v58+s15+$0x0], $0xffff  }
0x78: {  	s13 =	sadd.s32 s7, s16;
	v25 =	vor.u32 v17, v25;
	v33 =	vor.u32 v17, v28;
	v28 =	vadd.s32 v1, v46;
	v43 =	vld.idx.msk [tilespmem:v31+s15+$0x0], $0xffff  }
0x79: {  	[tilespmem:s13+$0x0] =	vst v60;
	v31 =	vadd.s32 v2, v50;
	v28 =	vor.u32 v37, v28;
	v37 =	vld.idx.msk [tilespmem:v30+s15+$0x0], $0xffff  }
0x7a: {  	s7 =	simm.s32 $0x600;
	[tilespmem:s29+$0x280] =	vst v62;
	v30 =	vor.u32 v17, v31;
	v31 =	vadd.s32 v1, v50;
	v40 =	vld.idx.msk [tilespmem:v52+s15+$0x0], $0xffff  }
.LBB2_3:
0x7b: {  	s30 =	sadd.s32 $0x40, s30;
	s11 =	sand.u32 $0x1C00, s7;
	v38 =	vld.idx.msk [tilespmem:v45+s15+$0x0], $0xffff;
	[tilespmem:s25+$0x380] =	vst v39;
	s25 =	smov.u32 s26  }
0x7c: {  	s0 =	sand.u32 $0x40, s30;
	s26 =	sadd.s32 s11, s22;
	p1 =	slt.u32 s30, $0x3C0;
	[tilespmem:s31+$0x80] =	vst v42;
	v39 =	vld.idx.msk [tilespmem:v44+s15+$0x0], $0xffff  }
0x7d: {  	s14 =	sadd.s32 s0, s26;
	s12 =	sor.u32 $0x10, s0;
	s8 =	sor.u32 $0x20, s0;
	v42 =	vld.idx.msk [tilespmem:v20+s15+$0x0], $0xffff;
	v20 =	vmov v34  }
0x7e: {  	s9 =	sor.u32 $0x30, s0;
	s16 =	sadd.s32 s12, s26;
	s3 =	sadd.s32 s8, s26;
	v34 =	vld.idx.msk [tilespmem:v35+s15+$0x0], $0xffff;
	v35 =	vadd.s32 v5, v9;
	[tilespmem:s28+$0x380] =	vst v43  }
0x7f: {  	v44 =	vadd.s32 v3, v13;
	s28 =	smov.u32 s23;
	s23 =	smov.u32 s1;
	v43 =	vld [tilespmem:s3+$0x0];
	s3 =	sadd.s32 s9, s26;
	[tilespmem:s24+$0x200] =	vst v37;
	v35 =	vor.u32 v10, v35  }
0x80: {  	v37 =	vadd.s32 v8, v19;
	s26 =	smov.u32 s13;
	v45 =	vld [tilespmem:s14+$0x0];
	[tilespmem:s2+$0x80] =	vst v41;
	v41 =	vor.u32 v12, v44  }
0x81: {  	v44 =	vor.u32 v23, v37;
	v37 =	vadd.s32 v1, v9;
	v32 =	vld.idx.msk [tilespmem:v32+s15+$0x0], $0xffff;
	[tilespmem:s28+$0x180] =	vst v38  }
0x82: {  	v38 =	vadd.s32 v1, v13;
	v37 =	vor.u32 v10, v37;
	v46 =	vld [tilespmem:s3+$0x0];
	[tilespmem:s25+$0x200] =	vst v39;
	v39 =	vadd.s32 v2, v9  }
0x83: {  	v49 =	vor.u32 v11, v22;
	v48 =	vor.u32 v12, v38;
	v47 =	vld [tilespmem:s16+$0x0];
	[tilespmem:s29+$0x300] =	vst v42;
	v42 =	vor.u32 v10, v39  }
0x84: {  	v22 =	vadd.s32 v8, v15;
	v50 =	vadd.s32 v3, v9;
	v11 =	vmov v17;
	[tilespmem:s31+$0x100] =	vst v34;
	v34 =	vld.idx.msk [tilespmem:v35+s15+$0x0], $0xffff  }
0x85: {  	v51 =	vadd.s32 v2, v13;
	v22 =	vor.u32 v21, v22;
	v38 =	vand.u32 $0x7F, v43;
	[tilespmem:s26+$0x80] =	vst v40;
	v35 =	vld.idx.msk [tilespmem:v41+s15+$0x0], $0xffff  }
0x86: {  	v17 =	vadd.s32 v7, v19;
	v9 =	vmovc v15;
	v39 =	vshll.u32 v43, $0x3;
	v41 =	vor.u32 v10, v50;
	v40 =	vld.idx.msk [tilespmem:v44+s15+$0x0], $0xffff  }
0x87: {  	v13 =	vmovc v19;
	v43 =	vor.u32 v23, v17;
	v44 =	vor.u32 v12, v51;
	v52 =	vshll.u32 v46, $0x3;
	v50 =	vld.idx.msk [tilespmem:v18+s15+$0x0], $0xffff  }
0x88: {  	v10 =	vmovc v21;
	v12 =	vmovc v23;
	v17 =	vand.u32 $0x7F, v47;
	v51 =	vshll.u32 v47, $0x3;
	v15 =	vand.u32 $0xFFFFFC00, v52;
	v29 =	vld.idx.msk [tilespmem:v29+s15+$0x0], $0xffff;
	[tilespmem:s2+$0x100] =	vst v32  }
0x89: {  	v19 =	vshll.u32 v45, $0x3;
	v18 =	vmovc v33;
	v47 =	vand.u32 $0xFFFFFC00, v51;
	v23 =	vadd.s32 v4, v15;
	v27 =	vld.idx.msk [tilespmem:v27+s15+$0x0], $0xffff;
	[tilespmem:s23+$0x80] =	vst v36  }
0x8a: {  	v19 =	vand.u32 $0xFFFFFC00, v19;
	v21 =	vadd.s32 v4, v47;
	v32 =	vadd.s32 v6, v47;
	v33 =	vld.idx.msk [tilespmem:v22+s15+$0x0], $0xffff;
	[tilespmem:s28+$0x200] =	vst v34  }
0x8b: {  	v51 =	vand.u32 $0xFFFFFC00, v39;
	v34 =	vor.u32 v17, v21;
	v36 =	vor.u32 v17, v32;
	[tilespmem:s25+$0x280] =	vst v35;
	v39 =	vld.idx.msk [tilespmem:v16+s15+$0x0], $0xffff  }
0x8c: {  	v35 =	vadd.s32 v4, v19;
	v32 =	vadd.s32 v4, v51;
	v21 =	vand.u32 $0x7F, v46;
	[tilespmem:s26+$0x100] =	vst v40;
	v40 =	vld.idx.msk [tilespmem:v41+s15+$0x0], $0xffff  }
0x8d: {  	v16 =	vmov v28;
	v41 =	vor.u32 v38, v32;
	v46 =	vor.u32 v21, v23;
	v44 =	vld.idx.msk [tilespmem:v44+s15+$0x0], $0xffff;
	[tilespmem:s24+$0x280] =	vst v50  }
0x8e: {  	v22 =	vmov v31;
	v28 =	vadd.s32 v8, v51;
	v23 =	vadd.s32 v6, v51;
	v43 =	vld.idx.msk [tilespmem:v43+s15+$0x0], $0xffff;
	[tilespmem:s31+$0x180] =	vst v29  }
0x8f: {  	v32 =	vor.u32 v38, v28;
	v31 =	vor.u32 v38, v23;
	[tilespmem:s2+$0x180] =	vst v27;
	v28 =	vld.idx.msk [tilespmem:v14+s15+$0x0], $0xffff;
	v14 =	vmov v30  }
0x90: {  	v23 =	vand.u32 $0x7F, v45;
	v29 =	vadd.s32 v7, v51;
	v27 =	vadd.s32 v8, v47;
	v30 =	vld.idx.msk [tilespmem:v26+s15+$0x0], $0xffff  }
0x91: {  	v45 =	vor.u32 v23, v35;
	v35 =	vor.u32 v17, v27;
	v34 =	vld.idx.msk [tilespmem:v34+s15+$0x0], $0xffff;
	[tilespmem:s29+$0x380] =	vst v39;
	s29 =	smov.u32 s2  }
0x92: {  	v26 =	vadd.s32 v7, v47;
	v27 =	vor.u32 v38, v29;
	v41 =	vld.idx.msk [tilespmem:v41+s15+$0x0], $0xffff;
	[tilespmem:s28+$0x280] =	vst v40  }
0x93: {  	v29 =	vor.u32 v17, v26;
	v26 =	vadd.s32 v5, v51;
	v40 =	vld.idx.msk [tilespmem:v46+s15+$0x0], $0xffff;
	[tilespmem:s25+$0x300] =	vst v44  }
0x94: {  	v26 =	vor.u32 v38, v26;
	v44 =	vadd.s32 v6, v15;
	[tilespmem:s26+$0x180] =	vst v43;
	v39 =	vld.idx.msk [tilespmem:v48+s15+$0x0], $0xffff  }
0x95: {  	s3 =	sadd.s32 s11, s21;
	v43 =	vadd.s32 v3, v51;
	v44 =	vor.u32 v21, v44;
	[tilespmem:s24+$0x300] =	vst v28;
	v28 =	vld.idx.msk [tilespmem:v42+s15+$0x0], $0xffff  }
0x96: {  	s11 =	sadd.s32 s12, s3;
	v42 =	vadd.s32 v5, v47;
	v43 =	vor.u32 v38, v43;
	v46 =	vld.idx.msk [tilespmem:v45+s15+$0x0], $0xffff;
	[tilespmem:s29+$0x200] =	vst v30  }
0x97: {  	v30 =	vor.u32 v17, v42;
	[tilespmem:s11+$0x0] =	vst v34;
	v34 =	vadd.s32 v2, v51;
	v48 =	vld.idx.msk [tilespmem:v24+s15+$0x0], $0xffff;
	v24 =	vmov v43  }
0x98: {  	s1 =	sadd.s32 s9, s3;
	v42 =	vadd.s32 v6, v19;
	v34 =	vor.u32 v38, v34;
	[tilespmem:s23+$0x100] =	vst v33;
	v49 =	vld.idx.msk [tilespmem:v49+s15+$0x0], $0xffff  }
0x99: {  	s2 =	sadd.s32 s8, s3;
	v50 =	vor.u32 v23, v42;
	v33 =	vadd.s32 v7, v9;
	v42 =	vld.idx.msk [tilespmem:v36+s15+$0x0], $0xffff;
	[tilespmem:s1+$0x0] =	vst v40  }
.Ltmp3:
0x9a: {  	v40 =	vadd.s32 v5, v13;
	v45 =	vor.u32 v10, v33;
	[tilespmem:s2+$0x0] =	vst v41;
	v36 =	vld.idx.msk [tilespmem:v44+s15+$0x0], $0xffff;
	(pc) =	sbr.rel @p1 .LBB2_3-.Ltmp3, $4  }
0x9b: {  	s13 =	sadd.s32 s0, s3;
	v33 =	vadd.s32 v3, v47;
	v44 =	vor.u32 v12, v40;
	v41 =	vld.idx.msk [tilespmem:v31+s15+$0x0], $0xffff;
	[tilespmem:s28+$0x300] =	vst v28  }
0x9c: {  	v33 =	vor.u32 v17, v33;
	v28 =	vadd.s32 v1, v51;
	[tilespmem:s13+$0x0] =	vst v46;
	v43 =	vld.idx.msk [tilespmem:v37+s15+$0x0], $0xffff  }
0x9d: {  	v31 =	vadd.s32 v2, v47;
	v28 =	vor.u32 v38, v28;
	v37 =	vld.idx.msk [tilespmem:v25+s15+$0x0], $0xffff;
	[tilespmem:s29+$0x280] =	vst v48;
	v25 =	vmov v30  }
0x9e: {  	s7 =	sadd.s32 $0x200, s7;
	v30 =	vor.u32 v17, v31;
	v31 =	vadd.s32 v1, v47;
	v40 =	vld.idx.msk [tilespmem:v50+s15+$0x0], $0xffff;
	[tilespmem:s24+$0x380] =	vst v49;
	s24 =	smov.u32 s31;
	s31 =	smov.u32 s11  }
0x9f: {  	_ =	sdelay $0x1  }
0xa0: {  	[tilespmem:s25+$0x380] =	vst v39  }
0xa1: {  	[tilespmem:s31+$0x80] =	vst v42  }
0xa2: {  	v4 =	vld.idx.msk [tilespmem:v45+s15+$0x0], $0xffff;
	v52 =	vadd.s32 v8, v19;
	[tilespmem:s1+$0x80] =	vst v36  }
0xa3: {  	v6 =	vld.idx.msk [tilespmem:v44+s15+$0x0], $0xffff;
	v54 =	vadd.s32 v8, v15;
	v53 =	vor.u32 v23, v52;
	[tilespmem:s2+$0x80] =	vst v41  }
0xa4: {  	v38 =	vadd.s32 v5, v9;
	v20 =	vld.idx.msk [tilespmem:v20+s15+$0x0], $0xffff;
	v8 =	vor.u32 v21, v54;
	[tilespmem:s28+$0x380] =	vst v43  }
0xa5: {  	v55 =	vadd.s32 v3, v13;
	v38 =	vor.u32 v10, v38;
	v35 =	vld.idx.msk [tilespmem:v35+s15+$0x0], $0xffff;
	[tilespmem:s24+$0x200] =	vst v37  }
0xa6: {  	v39 =	vor.u32 v12, v55;
	v56 =	vld.idx.msk [tilespmem:v32+s15+$0x0], $0xffff;
	[tilespmem:s13+$0x80] =	vst v40  }
0xa7: {  	v18 =	vld.idx.msk [tilespmem:v18+s15+$0x0], $0xffff;
	[tilespmem:s23+$0x180] =	vst v4  }
0xa8: {  	v59 =	vadd.s32 v7, v19;
	[tilespmem:s26+$0x200] =	vst v6;
	v58 =	vld.idx.msk [tilespmem:v53+s15+$0x0], $0xffff  }
0xa9: {  	v61 =	vadd.s32 v7, v15;
	v60 =	vor.u32 v23, v59;
	[tilespmem:s29+$0x300] =	vst v20;
	v8 =	vld.idx.msk [tilespmem:v8+s15+$0x0], $0xffff  }
0xaa: {  	v7 =	vor.u32 v21, v61;
	v57 =	vld.idx.msk [tilespmem:v38+s15+$0x0], $0xffff;
	[tilespmem:s31+$0x100] =	vst v35  }
0xab: {  	v62 =	vld.idx.msk [tilespmem:v39+s15+$0x0], $0xffff;
	[tilespmem:s2+$0x100] =	vst v56  }
0xac: {  	v37 =	vld.idx.msk [tilespmem:v29+s15+$0x0], $0xffff;
	[tilespmem:s24+$0x280] =	vst v18  }
0xad: {  	v27 =	vld.idx.msk [tilespmem:v27+s15+$0x0], $0xffff;
	[tilespmem:s13+$0x100] =	vst v58  }
0xae: {  	v38 =	vadd.s32 v5, v19;
	[tilespmem:s1+$0x100] =	vst v8;
	v20 =	vld.idx.msk [tilespmem:v60+s15+$0x0], $0xffff  }
0xaf: {  	v39 =	vadd.s32 v5, v15;
	[tilespmem:s23+$0x200] =	vst v57;
	v8 =	vor.u32 v23, v38;
	v7 =	vld.idx.msk [tilespmem:v7+s15+$0x0], $0xffff  }
0xb0: {  	v63 =	vadd.s32 v3, v9;
	v16 =	vld.idx.msk [tilespmem:v16+s15+$0x0], $0xffff;
	v5 =	vor.u32 v21, v39;
	[tilespmem:s26+$0x280] =	vst v62  }
0xb1: {  	v36 =	vor.u32 v10, v63;
	v40 =	vadd.s32 v2, v13;
	v14 =	vld.idx.msk [tilespmem:v14+s15+$0x0], $0xffff;
	[tilespmem:s31+$0x180] =	vst v37  }
0xb2: {  	v41 =	vor.u32 v12, v40;
	[tilespmem:s2+$0x180] =	vst v27;
	v43 =	vld.idx.msk [tilespmem:v25+s15+$0x0], $0xffff  }
0xb3: {  	v42 =	vld.idx.msk [tilespmem:v26+s15+$0x0], $0xffff;
	[tilespmem:s13+$0x180] =	vst v20  }
0xb4: {  	v44 =	vadd.s32 v3, v19;
	[tilespmem:s1+$0x180] =	vst v7;
	v8 =	vld.idx.msk [tilespmem:v8+s15+$0x0], $0xffff  }
0xb5: {  	v3 =	vadd.s32 v3, v15;
	v45 =	vor.u32 v23, v44;
	[tilespmem:s29+$0x380] =	vst v16;
	v5 =	vld.idx.msk [tilespmem:v5+s15+$0x0], $0xffff  }
0xb6: {  	v3 =	vor.u32 v21, v3;
	v4 =	vld.idx.msk [tilespmem:v36+s15+$0x0], $0xffff;
	[tilespmem:s24+$0x300] =	vst v14  }
0xb7: {  	v46 =	vadd.s32 v2, v9;
	v48 =	vor.u32 v11, v22;
	v18 =	vld.idx.msk [tilespmem:v41+s15+$0x0], $0xffff;
	[tilespmem:s31+$0x200] =	vst v43  }
0xb8: {  	v47 =	vor.u32 v10, v46;
	[tilespmem:s2+$0x200] =	vst v42;
	v50 =	vld.idx.msk [tilespmem:v33+s15+$0x0], $0xffff  }
0xb9: {  	v49 =	vld.idx.msk [tilespmem:v24+s15+$0x0], $0xffff;
	[tilespmem:s13+$0x200] =	vst v8  }
0xba: {  	v51 =	vadd.s32 v2, v19;
	[tilespmem:s1+$0x200] =	vst v5;
	v7 =	vld.idx.msk [tilespmem:v45+s15+$0x0], $0xffff  }
0xbb: {  	v52 =	vor.u32 v23, v51;
	v2 =	vadd.s32 v2, v15;
	[tilespmem:s23+$0x280] =	vst v4;
	v3 =	vld.idx.msk [tilespmem:v3+s15+$0x0], $0xffff  }
0xbc: {  	v2 =	vor.u32 v21, v2;
	v53 =	vadd.s32 v1, v13;
	v6 =	vld.idx.msk [tilespmem:v48+s15+$0x0], $0xffff;
	[tilespmem:s26+$0x300] =	vst v18  }
0xbd: {  	v54 =	vadd.s32 v1, v9;
	v55 =	vor.u32 v12, v53;
	v4 =	vld.idx.msk [tilespmem:v47+s15+$0x0], $0xffff;
	[tilespmem:s31+$0x280] =	vst v50  }
0xbe: {  	v9 =	vor.u32 v10, v54;
	[tilespmem:s2+$0x280] =	vst v49;
	v57 =	vld.idx.msk [tilespmem:v30+s15+$0x0], $0xffff  }
0xbf: {  	v59 =	vor.u32 v17, v31;
	v56 =	vld.idx.msk [tilespmem:v34+s15+$0x0], $0xffff;
	[tilespmem:s13+$0x280] =	vst v7  }
0xc0: {  	v58 =	vadd.s32 v1, v19;
	[tilespmem:s1+$0x280] =	vst v3;
	v5 =	vld.idx.msk [tilespmem:v52+s15+$0x0], $0xffff  }
0xc1: {  	v1 =	vadd.s32 v1, v15;
	[tilespmem:s24+$0x380] =	vst v6;
	v3 =	vor.u32 v23, v58;
	v2 =	vld.idx.msk [tilespmem:v2+s15+$0x0], $0xffff  }
0xc2: {  	v1 =	vor.u32 v21, v1;
	v60 =	vld.idx.msk [tilespmem:v55+s15+$0x0], $0xffff;
	[tilespmem:s23+$0x300] =	vst v4  }
0xc3: {  	v61 =	vld.idx.msk [tilespmem:v9+s15+$0x0], $0xffff;
	[tilespmem:s31+$0x300] =	vst v57  }
0xc4: {  	[tilespmem:s2+$0x300] =	vst v56;
	v63 =	vld.idx.msk [tilespmem:v59+s15+$0x0], $0xffff  }
0xc5: {  	v62 =	vld.idx.msk [tilespmem:v28+s15+$0x0], $0xffff;
	[tilespmem:s13+$0x300] =	vst v5  }
0xc6: {  	[tilespmem:s1+$0x300] =	vst v2;
	v3 =	vld.idx.msk [tilespmem:v3+s15+$0x0], $0xffff  }
0xc7: {  	[tilespmem:s26+$0x380] =	vst v60;
	v1 =	vld.idx.msk [tilespmem:v1+s15+$0x0], $0xffff  }
0xc8: {  	s0 =	smul.u32 $0xFA000, s18;
	s3 =	sadd.s32 s5, s17;
	[tilespmem:s23+$0x380] =	vst v61  }
0xc9: {  	s29 =	sshll.u32 s3, $0xD;
	[tilespmem:s31+$0x380] =	vst v63  }
0xca: {  	s30 =	sadd.s32 $0x1, s20;
	s19 =	sadd.s32 $0x1, s19;
	s0 =	sadd.s32 s0, s29;
	[tilespmem:s2+$0x380] =	vst v62  }
0xcb: {  	p2 =	sne.s32 s19, s10;
	s0 =	sshrl.u32 s0, $0x3;
	s31 =	rddreg [dreg:$0x2];
	[tilespmem:s13+$0x380] =	vst v3  }
.Ltmp4:
0xcc: {  	s17 =	sadd.s32 $0x1, s17;
	s0 =	sadd.s32 s31, s0;
	[tilespmem:s1+$0x380] =	vst v1;
	(pc) =	sbr.rel @p2 .LBB2_2-.Ltmp4, $4  }
0xcd: {  	[hbm4b:s0+s4] =	stream.linear.scatter [tilespmem:s21], [sflag:s30], $0x2000, $0x38;
	[tilespmem:$0x1E000] =	vst v63  }
0xce: {  	p1 =	seq.s32 s17, s6;
	s0 =	simm.s32 $0x1  }
0xcf: {  	s0 =	simm.s32 @!p1 $0x0  }
0xd0: {  	s17 =	simm.s32 @p1 $0x0;
	s18 =	sadd.s32 s0, s18  }
0xd1: {  	s0 =	rddreg [dreg:$0x5]  }
0xd2: {  	_ =	swait.ge [sflag:s0], $0x2000  }
0xd3: {  	[sflag:s0] =	ssyncset.done $0x0  }
0xd4: {  	s29 =	rddreg [dreg:$0x6];
	[sflag:s0] =	ssyncadd.s32 $0xFFFFE000  }
0xd5: {  	_ =	swait.ge [sflag:s29], $0x2000  }
0xd6: {  	[sflag:s29] =	ssyncset.done $0x0  }
0xd7: {  	s30 =	rddreg [dreg:$0x7];
	[sflag:s29] =	ssyncadd.s32 $0xFFFFE000  }
0xd8: {  	_ =	swait.ge [sflag:s30], $0x2000  }
.Ltmp5:
0xd9: {  	[sflag:s30] =	ssyncset.done $0x0;
	(pc) =	sbr.rel .LBB2_6-.Ltmp5, $4  }
0xda: {  	s31 =	rddreg [dreg:$0x8];
	[sflag:s30] =	ssyncadd.s32 $0xFFFFE000  }
0xdb: {  	_ =	swait.ge [sflag:s31], $0x2000  }
0xdc: {  	[sflag:s31] =	ssyncset.done $0x0  }
0xdd: {  	[sflag:s31] =	ssyncadd.s32 $0xFFFFE000  }
.LBB2_7:
0xde: {  	_ =	sfence.sel $0x180000  }
0xdf: {  	[bflag:$0x0] =	sbarrier.arrive $0xFFFF  }
0xe0: {  	_ =	strace $0x90000047  }
0xe1: {  	s0 =	stileid.u32;
	[bflag:$0x2] =	sbarrier.arrive $0xFFFF  }
0xe2: {  	p0 =	sne.s32 s0, $0x0;
	s0 =	rddreg [dreg:$0x3]  }
0xe3: {  	s0 =	sadd.s32 @!p0 $0x100000, s0  }
0xe4: {  	[sflag:s0] =	ssyncadd.tile.s32 @!p0 $0x1;
	_ =	shalt  }
.Lfunc_end2:
_tile_overlayer_lowered:
.L_overlay_start_2:
0xe5: {  	(tag) =	ssettag $0x2  }
0xe6: {  	s0 =	rddreg [dreg:$0x0];
	s2 =	stileid.u32  }
0xe7: {  	s1 =	rddreg [dreg:$0x1];
	p0 =	sne.s32 s2, $0x0  }
0xe8: {  	s3 =	rddreg [dreg:$0x2];
	[bflag:$0x3] =	sbarrier.arrive $0xFFFF;
	s2 =	simm.s32 @!p0 $0x1C05  }
0xe9: {  	[timem:s3], [sflag:s2] =	dma.local @!p0 [hbm:s0], s1  }
0xea: {  	s0 =	simm.s32 @!p0 $0x5  }
0xeb: {  	_ =	swait.ge @!p0 [sflag:s0], s1  }
0xec: {  	s1 =	ssub.s32 @!p0 $0x0, s1;
	[sflag:s0] =	ssyncset.done @!p0 $0x0  }
0xed: {  	[sflag:s0] =	ssyncadd.s32 @!p0 s1  }
0xee: {  	[bflag:$0x3] =	sbarrier.arrive $0xFFFF  }
0xef: {  	_ =	shalt  }

</sc_bundles>
